<compile_context>
chip_gen: v7x
topology: tpu7x:2x2x1
jax: 0.10.2.dev20260603
libtpu: 0.0.44.dev20260713+nightly
codegen_flags: <defaults>
</compile_context>

<pallas_src>
import jax
import jax.numpy as jnp
from jax import lax
from jax.experimental import pallas as pl
from jax.experimental.pallas import tpu as pltpu
from jax.experimental.pallas import tpu_sc as plsc

BATCH = 16
SEQ = 1024
LATENT = 64
CODES = 1024
B = BATCH * SEQ

NC = 2
NS = 16
NW = NC * NS
BPW = B // NW
CHUNK = 128
NCHUNK = BPW // CHUNK
BPG = 8


def _argmin_body(x_ref, e_ref, idx_ref):
    em = e_ref[...]
    e_sq = jnp.sum(em * em, axis=0, keepdims=True)
    cols = lax.broadcasted_iota(jnp.int32, (1, CODES), 1).astype(jnp.float32)
    for u in range(BPG):
        xt = x_ref[u]
        sim = lax.dot_general(
            xt, em, (((0,), (0,)), ((), ())), preferred_element_type=jnp.float32
        )
        x_sq = jnp.sum(xt * xt, axis=0, keepdims=True).T
        dist = (x_sq + e_sq) - 2.0 * sim
        minval = jnp.min(dist, axis=1, keepdims=True)
        idx = jnp.min(jnp.where(dist == minval, cols, float(CODES)), axis=1)
        idx_ref[pl.ds(u * 8, 8), :] = idx.astype(jnp.int32).reshape(8, 128)


def _sc_gather_body(em_hbm, idx_hbm, out_hbm, em_v, idx_v, tile_v, sem_o):
    wid = lax.axis_index("s") * NC + lax.axis_index("c")
    b4 = wid // 8
    le = wid % 8
    pltpu.sync_copy(em_hbm.at[pl.ds(le * 8192, 8192)], em_v)
    pltpu.sync_copy(idx_hbm.at[pl.ds(b4 * 32, 32)], idx_v)

    @plsc.parallel_loop(0, 256, unroll=4)
    def _(s):
        r = s // 8
        qig = (s % 8) * 16
        idx16 = idx_v[r, pl.ds(qig, 16)]
        base16 = ((idx16 >> 7) << 10) + (idx16 & 127)
        gs = [plsc.load_gather(em_v, [base16 + li * 128]) for li in range(8)]
        for li in range(8):
            tile_v[s // 64, (s // 8) % 8, li, pl.ds(qig, 16)] = gs[li]

    out_cps = [
        pltpu.async_copy(
            tile_v.at[bi], out_hbm.at[b4 * 4 + bi, le], sem_o
        )
        for bi in range(4)
    ]
    for cp in out_cps:
        cp.wait()


def kernel(x, embeddings):
    xt = jnp.swapaxes(x, 1, 2)
    idx2d = pl.pallas_call(
        _argmin_body,
        grid=(BATCH // BPG,),
        in_specs=[
            pl.BlockSpec((BPG, LATENT, SEQ), lambda i: (i, 0, 0)),
            pl.BlockSpec((LATENT, CODES), lambda i: (0, 0)),
        ],
        out_specs=pl.BlockSpec((8 * BPG, 128), lambda i: (i, 0)),
        out_shape=jax.ShapeDtypeStruct((B // CHUNK, CHUNK), jnp.int32),
    )(xt, embeddings)

    em_flat = embeddings.reshape(8, 8, 8, 128).transpose(0, 2, 1, 3).reshape(-1)

    gather = pl.kernel(
        _sc_gather_body,
        mesh=plsc.VectorSubcoreMesh(core_axis_name="c", subcore_axis_name="s"),
        out_type=jax.ShapeDtypeStruct((BATCH, 8, 8, 8, 128), jnp.float32),
        scratch_types=[
            pltpu.VMEM((LATENT * CODES // 8,), jnp.float32),
            pltpu.VMEM((32, CHUNK), jnp.int32),
            pltpu.VMEM((4, 8, 8, 128), jnp.float32),
            pltpu.SemaphoreType.DMA,
        ],
        compiler_params=pltpu.CompilerParams(
            use_tc_tiling_on_sc=False, needs_layout_passes=False
        ),
    )
    out5 = gather(em_flat, idx2d)
    return out5.transpose(0, 2, 4, 1, 3).reshape(BATCH, SEQ, LATENT)

# --- scband reference (transcript-rebuilt; emitter-appended) ---
"""Pipeline reference for scband-vq-layer-18769007084529 (READ-ONLY COPY).

The authoritative reference and input builder live on the scoring server;
editing this copy changes nothing except your own understanding.
"""

import jax, jax.numpy as jnp
import numpy as np

BETA = 0.25
EMBEDDING_NUM = 1024
LATENT_DIM = 64


def setup_inputs(seed: int = 0) -> dict:
    key = jax.random.key(seed)
    kx, ke = jax.random.split(key)
    x = jax.random.normal(kx, (16, 1024, LATENT_DIM), dtype=jnp.float32)
    # tf.random_uniform_initializer() default: uniform in [-0.05, 0.05]
    embeddings = jax.random.uniform(ke, (LATENT_DIM, EMBEDDING_NUM), dtype=jnp.float32, minval=-0.05, maxval=0.05)
    return {"x": x, "embeddings": embeddings}


def reference(x, embeddings):
    input_shape = x.shape
    flatten = x.reshape(-1, LATENT_DIM)
    similarity = flatten @ embeddings
    distances = (jnp.sum(flatten ** 2, axis=1, keepdims=True)
                 + jnp.sum(embeddings ** 2, axis=0)
                 - 2.0 * similarity)
    encoded_indices = jnp.argmin(distances, axis=1)
    encodings = jax.nn.one_hot(encoded_indices, EMBEDDING_NUM, dtype=jnp.float32)
    quantized = encodings @ embeddings.T
    quantized = quantized.reshape(input_shape)
    # straight-through estimator
    quantized_st = x + jax.lax.stop_gradient(quantized - x)
    return quantized_st

if __name__ == "__main__":
    import jax
    _d = setup_inputs()
    print(jax.jit(kernel)(*tuple(_d.values())))

</pallas_src>

<mosaic_0001>
#map = affine_map<(d0, d1) -> (0)>
#map1 = affine_map<(d0, d1) -> (0, 0)>
#map2 = affine_map<(d0, d1) -> (0, 0, 0, 0, 0)>
module attributes {stable_mosaic.version = 14 : i64} {
  func.func @_sc_gather_body(%arg0: i32, %arg1: i32, %arg2: memref<65536xf32, #tpu.memory_space<hbm>>, %arg3: memref<128x128xi32, #tpu.memory_space<hbm>>, %arg4: memref<16x8x8x8x128xf32, #tpu.memory_space<hbm>>, %arg5: memref<8192xf32, #tpu.memory_space<vmem>>, %arg6: memref<32x128xi32, #tpu.memory_space<vmem>>, %arg7: memref<4x8x8x128xf32, #tpu.memory_space<vmem>>, %arg8: memref<!tpu.dma_semaphore, #tpu.memory_space<semaphore_mem>>) attributes {dimension_semantics = [#tpu.dimension_semantics<core_parallel>, #tpu.dimension_semantics<subcore_parallel>], iteration_bounds = array<i64: 2, 16>, scalar_prefetch = 0 : i64, scratch_operands = 4 : i64, tpu.core_type = #tpu.core_type<sc_vector_subcore>, window_params = [{transform_indices = #map}, {transform_indices = #map1}, {transform_indices = #map2}]} {
    %mul3A = arith.constant 2 : i32
    %mul3A_0 = arith.muli %arg1, %mul3A : i32
    %add3A = arith.addi %mul3A_0, %arg0 : i32
    %jit3A = arith.constant 8 : i32
    %div3A = arith.divsi %add3A, %jit3A : i32
    %sign3A = arith.constant 0 : i32
    %sign3A_1 = arith.cmpi sgt, %add3A, %sign3A : i32
    %sign3A_2 = arith.extui %sign3A_1 : i1 to i32
    %sign3A_3 = arith.constant 0 : i32
    %sign3A_4 = arith.cmpi slt, %add3A, %sign3A_3 : i32
    %sign3A_5 = arith.extui %sign3A_4 : i1 to i32
    %sign3A_6 = arith.subi %sign3A_2, %sign3A_5 : i32
    %sign3A_7 = arith.constant 0 : i32
    %sign3A_8 = arith.cmpi sgt, %jit3A, %sign3A_7 : i32
    %sign3A_9 = arith.extui %sign3A_8 : i1 to i32
    %sign3A_10 = arith.constant 0 : i32
    %sign3A_11 = arith.cmpi slt, %jit3A, %sign3A_10 : i32
    %sign3A_12 = arith.extui %sign3A_11 : i1 to i32
    %sign3A_13 = arith.subi %sign3A_9, %sign3A_12 : i32
    %ne3A = arith.cmpi ne, %sign3A_6, %sign3A_13 : i32
    %rem3A = arith.remsi %add3A, %jit3A : i32
    %ne3A_14 = arith.constant 0 : i32
    %ne3A_15 = arith.cmpi ne, %rem3A, %ne3A_14 : i32
    %and3A = arith.andi %ne3A, %ne3A_15 : i1
    %sub3A = arith.constant 1 : i32
    %sub3A_16 = arith.subi %div3A, %sub3A : i32
    %select_n3A = arith.select %and3A, %sub3A_16, %div3A : i32
    %jit3A_17 = arith.constant 8 : i32
    %eq3A = arith.constant 0 : i32
    %eq3A_18 = arith.cmpi eq, %jit3A_17, %eq3A : i32
    %jit3A_19 = arith.constant 1 : i32
    %select_n3A_20 = arith.select %eq3A_18, %jit3A_19, %jit3A_17 : i32
    %rem3A_21 = arith.remsi %add3A, %select_n3A_20 : i32
    %ne3A_22 = arith.constant 0 : i32
    %ne3A_23 = arith.cmpi ne, %rem3A_21, %ne3A_22 : i32
    %lt3A = arith.constant 0 : i32
    %lt3A_24 = arith.cmpi slt, %rem3A_21, %lt3A : i32
    %lt3A_25 = arith.constant 0 : i32
    %lt3A_26 = arith.cmpi slt, %select_n3A_20, %lt3A_25 : i32
    %ne3A_27 = arith.xori %lt3A_24, %lt3A_26 : i1
    %and3A_28 = arith.andi %ne3A_27, %ne3A_23 : i1
    %add3A_29 = arith.addi %rem3A_21, %select_n3A_20 : i32
    %select_n3A_30 = arith.select %and3A_28, %add3A_29, %rem3A_21 : i32
    %mul3A_31 = arith.constant 8192 : i32
    %mul3A_32 = arith.muli %select_n3A_30, %mul3A_31 : i32
    "tpu.region"() ({
      %run_scoped3A = tpu.sem_alloc : memref<!tpu.dma_semaphore, #tpu.memory_space<semaphore_mem>>
      %dma_start3A_219 = tpu.memref_slice %arg2[%mul3A_32] : memref<65536xf32, #tpu.memory_space<hbm>> -> memref<8192xf32, #tpu.memory_space<hbm>>
      %dma_start3A_220 = tpu.memref_slice %arg2[%mul3A_32] : memref<65536xf32, #tpu.memory_space<hbm>> -> memref<8192xf32, #tpu.memory_space<hbm>>
      tpu.enqueue_dma source(%dma_start3A_220 : memref<8192xf32, #tpu.memory_space<hbm>>) target(%arg5 : memref<8192xf32, #tpu.memory_space<vmem>>) target_semaphore(%run_scoped3A : memref<!tpu.dma_semaphore, #tpu.memory_space<semaphore_mem>>)
      %dma_wait3A_221 = tpu.memref_slice %arg2[%mul3A_32] : memref<65536xf32, #tpu.memory_space<hbm>> -> memref<8192xf32, #tpu.memory_space<hbm>>
      %dma_wait3A_222 = tpu.memref_slice %arg2[%mul3A_32] : memref<65536xf32, #tpu.memory_space<hbm>> -> memref<8192xf32, #tpu.memory_space<hbm>>
      tpu.wait_dma2 semaphore(%run_scoped3A : memref<!tpu.dma_semaphore, #tpu.memory_space<semaphore_mem>>) src(%dma_wait3A_222 : memref<8192xf32, #tpu.memory_space<hbm>>) dst(%arg5 : memref<8192xf32, #tpu.memory_space<vmem>>)
      tpu.yield
    }) : () -> ()
    %mul3A_33 = arith.constant 32 : i32
    %mul3A_34 = arith.muli %select_n3A, %mul3A_33 : i32
    "tpu.region"() ({
      %run_scoped3A = tpu.sem_alloc : memref<!tpu.dma_semaphore, #tpu.memory_space<semaphore_mem>>
      %dma_start3A_219 = arith.constant 0 : i32
      %dma_start3A_220 = tpu.memref_slice %arg3[%mul3A_34, %dma_start3A_219] : memref<128x128xi32, #tpu.memory_space<hbm>> -> memref<32x128xi32, #tpu.memory_space<hbm>>
      %dma_start3A_221 = arith.constant 0 : i32
      %dma_start3A_222 = tpu.memref_slice %arg3[%mul3A_34, %dma_start3A_221] : memref<128x128xi32, #tpu.memory_space<hbm>> -> memref<32x128xi32, #tpu.memory_space<hbm>>
      tpu.enqueue_dma source(%dma_start3A_222 : memref<32x128xi32, #tpu.memory_space<hbm>>) target(%arg6 : memref<32x128xi32, #tpu.memory_space<vmem>>) target_semaphore(%run_scoped3A : memref<!tpu.dma_semaphore, #tpu.memory_space<semaphore_mem>>)
      %dma_wait3A_223 = arith.constant 0 : i32
      %dma_wait3A_224 = tpu.memref_slice %arg3[%mul3A_34, %dma_wait3A_223] : memref<128x128xi32, #tpu.memory_space<hbm>> -> memref<32x128xi32, #tpu.memory_space<hbm>>
      %dma_wait3A_225 = arith.constant 0 : i32
      %dma_wait3A_226 = tpu.memref_slice %arg3[%mul3A_34, %dma_wait3A_225] : memref<128x128xi32, #tpu.memory_space<hbm>> -> memref<32x128xi32, #tpu.memory_space<hbm>>
      tpu.wait_dma2 semaphore(%run_scoped3A : memref<!tpu.dma_semaphore, #tpu.memory_space<semaphore_mem>>) src(%dma_wait3A_226 : memref<32x128xi32, #tpu.memory_space<hbm>>) dst(%arg6 : memref<32x128xi32, #tpu.memory_space<vmem>>)
      tpu.yield
    }) : () -> ()
    %parallel_loop3A = arith.constant 0 : i32
    %parallel_loop3A_35 = arith.constant 256 : i32
    %parallel_loop3A_36 = arith.constant 1 : i32
    scf.for %parallel_loop3A_219 = %parallel_loop3A to %parallel_loop3A_35 step %parallel_loop3A_36  : i32 {
      %parallel_loop3A_220 = arith.constant 8 : i32
      %parallel_loop3A_221 = arith.divsi %parallel_loop3A_219, %parallel_loop3A_220 : i32
      %parallel_loop3A_222 = arith.constant 0 : i32
      %parallel_loop3A_223 = arith.cmpi sgt, %parallel_loop3A_219, %parallel_loop3A_222 : i32
      %parallel_loop3A_224 = arith.extui %parallel_loop3A_223 : i1 to i32
      %parallel_loop3A_225 = arith.constant 0 : i32
      %parallel_loop3A_226 = arith.cmpi slt, %parallel_loop3A_219, %parallel_loop3A_225 : i32
      %parallel_loop3A_227 = arith.extui %parallel_loop3A_226 : i1 to i32
      %parallel_loop3A_228 = arith.subi %parallel_loop3A_224, %parallel_loop3A_227 : i32
      %parallel_loop3A_229 = arith.constant 0 : i32
      %parallel_loop3A_230 = arith.cmpi sgt, %parallel_loop3A_220, %parallel_loop3A_229 : i32
      %parallel_loop3A_231 = arith.extui %parallel_loop3A_230 : i1 to i32
      %parallel_loop3A_232 = arith.constant 0 : i32
      %parallel_loop3A_233 = arith.cmpi slt, %parallel_loop3A_220, %parallel_loop3A_232 : i32
      %parallel_loop3A_234 = arith.extui %parallel_loop3A_233 : i1 to i32
      %parallel_loop3A_235 = arith.subi %parallel_loop3A_231, %parallel_loop3A_234 : i32
      %parallel_loop3A_236 = arith.cmpi ne, %parallel_loop3A_228, %parallel_loop3A_235 : i32
      %parallel_loop3A_237 = arith.remsi %parallel_loop3A_219, %parallel_loop3A_220 : i32
      %parallel_loop3A_238 = arith.constant 0 : i32
      %parallel_loop3A_239 = arith.cmpi ne, %parallel_loop3A_237, %parallel_loop3A_238 : i32
      %parallel_loop3A_240 = arith.andi %parallel_loop3A_236, %parallel_loop3A_239 : i1
      %parallel_loop3A_241 = arith.constant 1 : i32
      %parallel_loop3A_242 = arith.subi %parallel_loop3A_221, %parallel_loop3A_241 : i32
      %parallel_loop3A_243 = arith.select %parallel_loop3A_240, %parallel_loop3A_242, %parallel_loop3A_221 : i32
      %parallel_loop3A_244 = arith.constant 8 : i32
      %parallel_loop3A_245 = arith.constant 0 : i32
      %parallel_loop3A_246 = arith.cmpi eq, %parallel_loop3A_244, %parallel_loop3A_245 : i32
      %parallel_loop3A_247 = arith.constant 1 : i32
      %parallel_loop3A_248 = arith.select %parallel_loop3A_246, %parallel_loop3A_247, %parallel_loop3A_244 : i32
      %parallel_loop3A_249 = arith.remsi %parallel_loop3A_219, %parallel_loop3A_248 : i32
      %parallel_loop3A_250 = arith.constant 0 : i32
      %parallel_loop3A_251 = arith.cmpi ne, %parallel_loop3A_249, %parallel_loop3A_250 : i32
      %parallel_loop3A_252 = arith.constant 0 : i32
      %parallel_loop3A_253 = arith.cmpi slt, %parallel_loop3A_249, %parallel_loop3A_252 : i32
      %parallel_loop3A_254 = arith.constant 0 : i32
      %parallel_loop3A_255 = arith.cmpi slt, %parallel_loop3A_248, %parallel_loop3A_254 : i32
      %parallel_loop3A_256 = arith.xori %parallel_loop3A_253, %parallel_loop3A_255 : i1
      %parallel_loop3A_257 = arith.andi %parallel_loop3A_256, %parallel_loop3A_251 : i1
      %parallel_loop3A_258 = arith.addi %parallel_loop3A_249, %parallel_loop3A_248 : i32
      %parallel_loop3A_259 = arith.select %parallel_loop3A_257, %parallel_loop3A_258, %parallel_loop3A_249 : i32
      %parallel_loop3A_260 = arith.constant 16 : i32
      %parallel_loop3A_261 = arith.muli %parallel_loop3A_259, %parallel_loop3A_260 : i32
      %parallel_loop3A_262 = arith.index_cast %parallel_loop3A_243 : i32 to index
      %parallel_loop3A_263 = arith.index_cast %parallel_loop3A_261 : i32 to index
      %parallel_loop3A_264 = tpu.vector_load %arg6[%parallel_loop3A_262, %parallel_loop3A_263] {strides = array<i32>} : memref<32x128xi32, #tpu.memory_space<vmem>>, vector<16xi32>,
      %parallel_loop3A_265 = arith.constant 7 : i32
      %parallel_loop3A_266 = vector.broadcast %parallel_loop3A_265 : i32 to vector<16xi32>
      %parallel_loop3A_267 = arith.shrsi %parallel_loop3A_264, %parallel_loop3A_266 : vector<16xi32>
      %parallel_loop3A_268 = arith.constant 10 : i32
      %parallel_loop3A_269 = vector.broadcast %parallel_loop3A_268 : i32 to vector<16xi32>
      %parallel_loop3A_270 = arith.shli %parallel_loop3A_267, %parallel_loop3A_269 : vector<16xi32>
      %parallel_loop3A_271 = arith.constant 127 : i32
      %parallel_loop3A_272 = vector.broadcast %parallel_loop3A_271 : i32 to vector<16xi32>
      %parallel_loop3A_273 = arith.andi %parallel_loop3A_264, %parallel_loop3A_272 : vector<16xi32>
      %parallel_loop3A_274 = arith.addi %parallel_loop3A_270, %parallel_loop3A_273 : vector<16xi32>
      %parallel_loop3A_275 = arith.constant 0 : i32
      %parallel_loop3A_276 = vector.broadcast %parallel_loop3A_275 : i32 to vector<16xi32>
      %parallel_loop3A_277 = arith.addi %parallel_loop3A_274, %parallel_loop3A_276 : vector<16xi32>
      %parallel_loop3A_278 = tpu.vector_load_idx %arg5[%parallel_loop3A_277] : memref<8192xf32, #tpu.memory_space<vmem>>[vector<16xi32>], vector<16xf32>,
      %parallel_loop3A_279 = arith.constant 128 : i32
      %parallel_loop3A_280 = vector.broadcast %parallel_loop3A_279 : i32 to vector<16xi32>
      %parallel_loop3A_281 = arith.addi %parallel_loop3A_274, %parallel_loop3A_280 : vector<16xi32>
      %parallel_loop3A_282 = tpu.vector_load_idx %arg5[%parallel_loop3A_281] : memref<8192xf32, #tpu.memory_space<vmem>>[vector<16xi32>], vector<16xf32>,
      %parallel_loop3A_283 = arith.constant 256 : i32
      %parallel_loop3A_284 = vector.broadcast %parallel_loop3A_283 : i32 to vector<16xi32>
      %parallel_loop3A_285 = arith.addi %parallel_loop3A_274, %parallel_loop3A_284 : vector<16xi32>
      %parallel_loop3A_286 = tpu.vector_load_idx %arg5[%parallel_loop3A_285] : memref<8192xf32, #tpu.memory_space<vmem>>[vector<16xi32>], vector<16xf32>,
      %parallel_loop3A_287 = arith.constant 384 : i32
      %parallel_loop3A_288 = vector.broadcast %parallel_loop3A_287 : i32 to vector<16xi32>
      %parallel_loop3A_289 = arith.addi %parallel_loop3A_274, %parallel_loop3A_288 : vector<16xi32>
      %parallel_loop3A_290 = tpu.vector_load_idx %arg5[%parallel_loop3A_289] : memref<8192xf32, #tpu.memory_space<vmem>>[vector<16xi32>], vector<16xf32>,
      %parallel_loop3A_291 = arith.constant 512 : i32
      %parallel_loop3A_292 = vector.broadcast %parallel_loop3A_291 : i32 to vector<16xi32>
      %parallel_loop3A_293 = arith.addi %parallel_loop3A_274, %parallel_loop3A_292 : vector<16xi32>
      %parallel_loop3A_294 = tpu.vector_load_idx %arg5[%parallel_loop3A_293] : memref<8192xf32, #tpu.memory_space<vmem>>[vector<16xi32>], vector<16xf32>,
      %parallel_loop3A_295 = arith.constant 640 : i32
      %parallel_loop3A_296 = vector.broadcast %parallel_loop3A_295 : i32 to vector<16xi32>
      %parallel_loop3A_297 = arith.addi %parallel_loop3A_274, %parallel_loop3A_296 : vector<16xi32>
      %parallel_loop3A_298 = tpu.vector_load_idx %arg5[%parallel_loop3A_297] : memref<8192xf32, #tpu.memory_space<vmem>>[vector<16xi32>], vector<16xf32>,
      %parallel_loop3A_299 = arith.constant 768 : i32
      %parallel_loop3A_300 = vector.broadcast %parallel_loop3A_299 : i32 to vector<16xi32>
      %parallel_loop3A_301 = arith.addi %parallel_loop3A_274, %parallel_loop3A_300 : vector<16xi32>
      %parallel_loop3A_302 = tpu.vector_load_idx %arg5[%parallel_loop3A_301] : memref<8192xf32, #tpu.memory_space<vmem>>[vector<16xi32>], vector<16xf32>,
      %parallel_loop3A_303 = arith.constant 896 : i32
      %parallel_loop3A_304 = vector.broadcast %parallel_loop3A_303 : i32 to vector<16xi32>
      %parallel_loop3A_305 = arith.addi %parallel_loop3A_274, %parallel_loop3A_304 : vector<16xi32>
      %parallel_loop3A_306 = tpu.vector_load_idx %arg5[%parallel_loop3A_305] : memref<8192xf32, #tpu.memory_space<vmem>>[vector<16xi32>], vector<16xf32>,
      %parallel_loop3A_307 = arith.constant 64 : i32
      %parallel_loop3A_308 = arith.divsi %parallel_loop3A_219, %parallel_loop3A_307 : i32
      %parallel_loop3A_309 = arith.constant 0 : i32
      %parallel_loop3A_310 = arith.cmpi sgt, %parallel_loop3A_219, %parallel_loop3A_309 : i32
      %parallel_loop3A_311 = arith.extui %parallel_loop3A_310 : i1 to i32
      %parallel_loop3A_312 = arith.constant 0 : i32
      %parallel_loop3A_313 = arith.cmpi slt, %parallel_loop3A_219, %parallel_loop3A_312 : i32
      %parallel_loop3A_314 = arith.extui %parallel_loop3A_313 : i1 to i32
      %parallel_loop3A_315 = arith.subi %parallel_loop3A_311, %parallel_loop3A_314 : i32
      %parallel_loop3A_316 = arith.constant 0 : i32
      %parallel_loop3A_317 = arith.cmpi sgt, %parallel_loop3A_307, %parallel_loop3A_316 : i32
      %parallel_loop3A_318 = arith.extui %parallel_loop3A_317 : i1 to i32
      %parallel_loop3A_319 = arith.constant 0 : i32
      %parallel_loop3A_320 = arith.cmpi slt, %parallel_loop3A_307, %parallel_loop3A_319 : i32
      %parallel_loop3A_321 = arith.extui %parallel_loop3A_320 : i1 to i32
      %parallel_loop3A_322 = arith.subi %parallel_loop3A_318, %parallel_loop3A_321 : i32
      %parallel_loop3A_323 = arith.cmpi ne, %parallel_loop3A_315, %parallel_loop3A_322 : i32
      %parallel_loop3A_324 = arith.remsi %parallel_loop3A_219, %parallel_loop3A_307 : i32
      %parallel_loop3A_325 = arith.constant 0 : i32
      %parallel_loop3A_326 = arith.cmpi ne, %parallel_loop3A_324, %parallel_loop3A_325 : i32
      %parallel_loop3A_327 = arith.andi %parallel_loop3A_323, %parallel_loop3A_326 : i1
      %parallel_loop3A_328 = arith.constant 1 : i32
      %parallel_loop3A_329 = arith.subi %parallel_loop3A_308, %parallel_loop3A_328 : i32
      %parallel_loop3A_330 = arith.select %parallel_loop3A_327, %parallel_loop3A_329, %parallel_loop3A_308 : i32
      %parallel_loop3A_331 = arith.constant 8 : i32
      %parallel_loop3A_332 = arith.divsi %parallel_loop3A_219, %parallel_loop3A_331 : i32
      %parallel_loop3A_333 = arith.constant 0 : i32
      %parallel_loop3A_334 = arith.cmpi sgt, %parallel_loop3A_219, %parallel_loop3A_333 : i32
      %parallel_loop3A_335 = arith.extui %parallel_loop3A_334 : i1 to i32
      %parallel_loop3A_336 = arith.constant 0 : i32
      %parallel_loop3A_337 = arith.cmpi slt, %parallel_loop3A_219, %parallel_loop3A_336 : i32
      %parallel_loop3A_338 = arith.extui %parallel_loop3A_337 : i1 to i32
      %parallel_loop3A_339 = arith.subi %parallel_loop3A_335, %parallel_loop3A_338 : i32
      %parallel_loop3A_340 = arith.constant 0 : i32
      %parallel_loop3A_341 = arith.cmpi sgt, %parallel_loop3A_331, %parallel_loop3A_340 : i32
      %parallel_loop3A_342 = arith.extui %parallel_loop3A_341 : i1 to i32
      %parallel_loop3A_343 = arith.constant 0 : i32
      %parallel_loop3A_344 = arith.cmpi slt, %parallel_loop3A_331, %parallel_loop3A_343 : i32
      %parallel_loop3A_345 = arith.extui %parallel_loop3A_344 : i1 to i32
      %parallel_loop3A_346 = arith.subi %parallel_loop3A_342, %parallel_loop3A_345 : i32
      %parallel_loop3A_347 = arith.cmpi ne, %parallel_loop3A_339, %parallel_loop3A_346 : i32
      %parallel_loop3A_348 = arith.remsi %parallel_loop3A_219, %parallel_loop3A_331 : i32
      %parallel_loop3A_349 = arith.constant 0 : i32
      %parallel_loop3A_350 = arith.cmpi ne, %parallel_loop3A_348, %parallel_loop3A_349 : i32
      %parallel_loop3A_351 = arith.andi %parallel_loop3A_347, %parallel_loop3A_350 : i1
      %parallel_loop3A_352 = arith.constant 1 : i32
      %parallel_loop3A_353 = arith.subi %parallel_loop3A_332, %parallel_loop3A_352 : i32
      %parallel_loop3A_354 = arith.select %parallel_loop3A_351, %parallel_loop3A_353, %parallel_loop3A_332 : i32
      %parallel_loop3A_355 = arith.constant 8 : i32
      %parallel_loop3A_356 = arith.constant 0 : i32
      %parallel_loop3A_357 = arith.cmpi eq, %parallel_loop3A_355, %parallel_loop3A_356 : i32
      %parallel_loop3A_358 = arith.constant 1 : i32
      %parallel_loop3A_359 = arith.select %parallel_loop3A_357, %parallel_loop3A_358, %parallel_loop3A_355 : i32
      %parallel_loop3A_360 = arith.remsi %parallel_loop3A_354, %parallel_loop3A_359 : i32
      %parallel_loop3A_361 = arith.constant 0 : i32
      %parallel_loop3A_362 = arith.cmpi ne, %parallel_loop3A_360, %parallel_loop3A_361 : i32
      %parallel_loop3A_363 = arith.constant 0 : i32
      %parallel_loop3A_364 = arith.cmpi slt, %parallel_loop3A_360, %parallel_loop3A_363 : i32
      %parallel_loop3A_365 = arith.constant 0 : i32
      %parallel_loop3A_366 = arith.cmpi slt, %parallel_loop3A_359, %parallel_loop3A_365 : i32
      %parallel_loop3A_367 = arith.xori %parallel_loop3A_364, %parallel_loop3A_366 : i1
      %parallel_loop3A_368 = arith.andi %parallel_loop3A_367, %parallel_loop3A_362 : i1
      %parallel_loop3A_369 = arith.addi %parallel_loop3A_360, %parallel_loop3A_359 : i32
      %parallel_loop3A_370 = arith.select %parallel_loop3A_368, %parallel_loop3A_369, %parallel_loop3A_360 : i32
      %parallel_loop3A_371 = arith.constant 0 : i32
      %parallel_loop3A_372 = arith.index_cast %parallel_loop3A_330 : i32 to index
      %parallel_loop3A_373 = arith.index_cast %parallel_loop3A_370 : i32 to index
      %parallel_loop3A_374 = arith.index_cast %parallel_loop3A_371 : i32 to index
      %parallel_loop3A_375 = arith.index_cast %parallel_loop3A_261 : i32 to index
      %parallel_loop3A_376 = tpu.vector_load %arg7[%parallel_loop3A_372, %parallel_loop3A_373, %parallel_loop3A_374, %parallel_loop3A_375] {strides = array<i32>} : memref<4x8x8x128xf32, #tpu.memory_space<vmem>>, vector<16xf32>,
      tpu.vector_store %arg7[%parallel_loop3A_372, %parallel_loop3A_373, %parallel_loop3A_374, %parallel_loop3A_375], %parallel_loop3A_278 {strides = array<i32>} : memref<4x8x8x128xf32, #tpu.memory_space<vmem>>, vector<16xf32>,
      %parallel_loop3A_377 = arith.constant 64 : i32
      %parallel_loop3A_378 = arith.divsi %parallel_loop3A_219, %parallel_loop3A_377 : i32
      %parallel_loop3A_379 = arith.constant 0 : i32
      %parallel_loop3A_380 = arith.cmpi sgt, %parallel_loop3A_219, %parallel_loop3A_379 : i32
      %parallel_loop3A_381 = arith.extui %parallel_loop3A_380 : i1 to i32
      %parallel_loop3A_382 = arith.constant 0 : i32
      %parallel_loop3A_383 = arith.cmpi slt, %parallel_loop3A_219, %parallel_loop3A_382 : i32
      %parallel_loop3A_384 = arith.extui %parallel_loop3A_383 : i1 to i32
      %parallel_loop3A_385 = arith.subi %parallel_loop3A_381, %parallel_loop3A_384 : i32
      %parallel_loop3A_386 = arith.constant 0 : i32
      %parallel_loop3A_387 = arith.cmpi sgt, %parallel_loop3A_377, %parallel_loop3A_386 : i32
      %parallel_loop3A_388 = arith.extui %parallel_loop3A_387 : i1 to i32
      %parallel_loop3A_389 = arith.constant 0 : i32
      %parallel_loop3A_390 = arith.cmpi slt, %parallel_loop3A_377, %parallel_loop3A_389 : i32
      %parallel_loop3A_391 = arith.extui %parallel_loop3A_390 : i1 to i32
      %parallel_loop3A_392 = arith.subi %parallel_loop3A_388, %parallel_loop3A_391 : i32
      %parallel_loop3A_393 = arith.cmpi ne, %parallel_loop3A_385, %parallel_loop3A_392 : i32
      %parallel_loop3A_394 = arith.remsi %parallel_loop3A_219, %parallel_loop3A_377 : i32
      %parallel_loop3A_395 = arith.constant 0 : i32
      %parallel_loop3A_396 = arith.cmpi ne, %parallel_loop3A_394, %parallel_loop3A_395 : i32
      %parallel_loop3A_397 = arith.andi %parallel_loop3A_393, %parallel_loop3A_396 : i1
      %parallel_loop3A_398 = arith.constant 1 : i32
      %parallel_loop3A_399 = arith.subi %parallel_loop3A_378, %parallel_loop3A_398 : i32
      %parallel_loop3A_400 = arith.select %parallel_loop3A_397, %parallel_loop3A_399, %parallel_loop3A_378 : i32
      %parallel_loop3A_401 = arith.constant 8 : i32
      %parallel_loop3A_402 = arith.divsi %parallel_loop3A_219, %parallel_loop3A_401 : i32
      %parallel_loop3A_403 = arith.constant 0 : i32
      %parallel_loop3A_404 = arith.cmpi sgt, %parallel_loop3A_219, %parallel_loop3A_403 : i32
      %parallel_loop3A_405 = arith.extui %parallel_loop3A_404 : i1 to i32
      %parallel_loop3A_406 = arith.constant 0 : i32
      %parallel_loop3A_407 = arith.cmpi slt, %parallel_loop3A_219, %parallel_loop3A_406 : i32
      %parallel_loop3A_408 = arith.extui %parallel_loop3A_407 : i1 to i32
      %parallel_loop3A_409 = arith.subi %parallel_loop3A_405, %parallel_loop3A_408 : i32
      %parallel_loop3A_410 = arith.constant 0 : i32
      %parallel_loop3A_411 = arith.cmpi sgt, %parallel_loop3A_401, %parallel_loop3A_410 : i32
      %parallel_loop3A_412 = arith.extui %parallel_loop3A_411 : i1 to i32
      %parallel_loop3A_413 = arith.constant 0 : i32
      %parallel_loop3A_414 = arith.cmpi slt, %parallel_loop3A_401, %parallel_loop3A_413 : i32
      %parallel_loop3A_415 = arith.extui %parallel_loop3A_414 : i1 to i32
      %parallel_loop3A_416 = arith.subi %parallel_loop3A_412, %parallel_loop3A_415 : i32
      %parallel_loop3A_417 = arith.cmpi ne, %parallel_loop3A_409, %parallel_loop3A_416 : i32
      %parallel_loop3A_418 = arith.remsi %parallel_loop3A_219, %parallel_loop3A_401 : i32
      %parallel_loop3A_419 = arith.constant 0 : i32
      %parallel_loop3A_420 = arith.cmpi ne, %parallel_loop3A_418, %parallel_loop3A_419 : i32
      %parallel_loop3A_421 = arith.andi %parallel_loop3A_417, %parallel_loop3A_420 : i1
      %parallel_loop3A_422 = arith.constant 1 : i32
      %parallel_loop3A_423 = arith.subi %parallel_loop3A_402, %parallel_loop3A_422 : i32
      %parallel_loop3A_424 = arith.select %parallel_loop3A_421, %parallel_loop3A_423, %parallel_loop3A_402 : i32
      %parallel_loop3A_425 = arith.constant 8 : i32
      %parallel_loop3A_426 = arith.constant 0 : i32
      %parallel_loop3A_427 = arith.cmpi eq, %parallel_loop3A_425, %parallel_loop3A_426 : i32
      %parallel_loop3A_428 = arith.constant 1 : i32
      %parallel_loop3A_429 = arith.select %parallel_loop3A_427, %parallel_loop3A_428, %parallel_loop3A_425 : i32
      %parallel_loop3A_430 = arith.remsi %parallel_loop3A_424, %parallel_loop3A_429 : i32
      %parallel_loop3A_431 = arith.constant 0 : i32
      %parallel_loop3A_432 = arith.cmpi ne, %parallel_loop3A_430, %parallel_loop3A_431 : i32
      %parallel_loop3A_433 = arith.constant 0 : i32
      %parallel_loop3A_434 = arith.cmpi slt, %parallel_loop3A_430, %parallel_loop3A_433 : i32
      %parallel_loop3A_435 = arith.constant 0 : i32
      %parallel_loop3A_436 = arith.cmpi slt, %parallel_loop3A_429, %parallel_loop3A_435 : i32
      %parallel_loop3A_437 = arith.xori %parallel_loop3A_434, %parallel_loop3A_436 : i1
      %parallel_loop3A_438 = arith.andi %parallel_loop3A_437, %parallel_loop3A_432 : i1
      %parallel_loop3A_439 = arith.addi %parallel_loop3A_430, %parallel_loop3A_429 : i32
      %parallel_loop3A_440 = arith.select %parallel_loop3A_438, %parallel_loop3A_439, %parallel_loop3A_430 : i32
      %parallel_loop3A_441 = arith.constant 1 : i32
      %parallel_loop3A_442 = arith.index_cast %parallel_loop3A_400 : i32 to index
      %parallel_loop3A_443 = arith.index_cast %parallel_loop3A_440 : i32 to index
      %parallel_loop3A_444 = arith.index_cast %parallel_loop3A_441 : i32 to index
      %parallel_loop3A_445 = arith.index_cast %parallel_loop3A_261 : i32 to index
      %parallel_loop3A_446 = tpu.vector_load %arg7[%parallel_loop3A_442, %parallel_loop3A_443, %parallel_loop3A_444, %parallel_loop3A_445] {strides = array<i32>} : memref<4x8x8x128xf32, #tpu.memory_space<vmem>>, vector<16xf32>,
      tpu.vector_store %arg7[%parallel_loop3A_442, %parallel_loop3A_443, %parallel_loop3A_444, %parallel_loop3A_445], %parallel_loop3A_282 {strides = array<i32>} : memref<4x8x8x128xf32, #tpu.memory_space<vmem>>, vector<16xf32>,
      %parallel_loop3A_447 = arith.constant 64 : i32
      %parallel_loop3A_448 = arith.divsi %parallel_loop3A_219, %parallel_loop3A_447 : i32
      %parallel_loop3A_449 = arith.constant 0 : i32
      %parallel_loop3A_450 = arith.cmpi sgt, %parallel_loop3A_219, %parallel_loop3A_449 : i32
      %parallel_loop3A_451 = arith.extui %parallel_loop3A_450 : i1 to i32
      %parallel_loop3A_452 = arith.constant 0 : i32
      %parallel_loop3A_453 = arith.cmpi slt, %parallel_loop3A_219, %parallel_loop3A_452 : i32
      %parallel_loop3A_454 = arith.extui %parallel_loop3A_453 : i1 to i32
      %parallel_loop3A_455 = arith.subi %parallel_loop3A_451, %parallel_loop3A_454 : i32
      %parallel_loop3A_456 = arith.constant 0 : i32
      %parallel_loop3A_457 = arith.cmpi sgt, %parallel_loop3A_447, %parallel_loop3A_456 : i32
      %parallel_loop3A_458 = arith.extui %parallel_loop3A_457 : i1 to i32
      %parallel_loop3A_459 = arith.constant 0 : i32
      %parallel_loop3A_460 = arith.cmpi slt, %parallel_loop3A_447, %parallel_loop3A_459 : i32
      %parallel_loop3A_461 = arith.extui %parallel_loop3A_460 : i1 to i32
      %parallel_loop3A_462 = arith.subi %parallel_loop3A_458, %parallel_loop3A_461 : i32
      %parallel_loop3A_463 = arith.cmpi ne, %parallel_loop3A_455, %parallel_loop3A_462 : i32
      %parallel_loop3A_464 = arith.remsi %parallel_loop3A_219, %parallel_loop3A_447 : i32
      %parallel_loop3A_465 = arith.constant 0 : i32
      %parallel_loop3A_466 = arith.cmpi ne, %parallel_loop3A_464, %parallel_loop3A_465 : i32
      %parallel_loop3A_467 = arith.andi %parallel_loop3A_463, %parallel_loop3A_466 : i1
      %parallel_loop3A_468 = arith.constant 1 : i32
      %parallel_loop3A_469 = arith.subi %parallel_loop3A_448, %parallel_loop3A_468 : i32
      %parallel_loop3A_470 = arith.select %parallel_loop3A_467, %parallel_loop3A_469, %parallel_loop3A_448 : i32
      %parallel_loop3A_471 = arith.constant 8 : i32
      %parallel_loop3A_472 = arith.divsi %parallel_loop3A_219, %parallel_loop3A_471 : i32
      %parallel_loop3A_473 = arith.constant 0 : i32
      %parallel_loop3A_474 = arith.cmpi sgt, %parallel_loop3A_219, %parallel_loop3A_473 : i32
      %parallel_loop3A_475 = arith.extui %parallel_loop3A_474 : i1 to i32
      %parallel_loop3A_476 = arith.constant 0 : i32
      %parallel_loop3A_477 = arith.cmpi slt, %parallel_loop3A_219, %parallel_loop3A_476 : i32
      %parallel_loop3A_478 = arith.extui %parallel_loop3A_477 : i1 to i32
      %parallel_loop3A_479 = arith.subi %parallel_loop3A_475, %parallel_loop3A_478 : i32
      %parallel_loop3A_480 = arith.constant 0 : i32
      %parallel_loop3A_481 = arith.cmpi sgt, %parallel_loop3A_471, %parallel_loop3A_480 : i32
      %parallel_loop3A_482 = arith.extui %parallel_loop3A_481 : i1 to i32
      %parallel_loop3A_483 = arith.constant 0 : i32
      %parallel_loop3A_484 = arith.cmpi slt, %parallel_loop3A_471, %parallel_loop3A_483 : i32
      %parallel_loop3A_485 = arith.extui %parallel_loop3A_484 : i1 to i32
      %parallel_loop3A_486 = arith.subi %parallel_loop3A_482, %parallel_loop3A_485 : i32
      %parallel_loop3A_487 = arith.cmpi ne, %parallel_loop3A_479, %parallel_loop3A_486 : i32
      %parallel_loop3A_488 = arith.remsi %parallel_loop3A_219, %parallel_loop3A_471 : i32
      %parallel_loop3A_489 = arith.constant 0 : i32
      %parallel_loop3A_490 = arith.cmpi ne, %parallel_loop3A_488, %parallel_loop3A_489 : i32
      %parallel_loop3A_491 = arith.andi %parallel_loop3A_487, %parallel_loop3A_490 : i1
      %parallel_loop3A_492 = arith.constant 1 : i32
      %parallel_loop3A_493 = arith.subi %parallel_loop3A_472, %parallel_loop3A_492 : i32
      %parallel_loop3A_494 = arith.select %parallel_loop3A_491, %parallel_loop3A_493, %parallel_loop3A_472 : i32
      %parallel_loop3A_495 = arith.constant 8 : i32
      %parallel_loop3A_496 = arith.constant 0 : i32
      %parallel_loop3A_497 = arith.cmpi eq, %parallel_loop3A_495, %parallel_loop3A_496 : i32
      %parallel_loop3A_498 = arith.constant 1 : i32
      %parallel_loop3A_499 = arith.select %parallel_loop3A_497, %parallel_loop3A_498, %parallel_loop3A_495 : i32
      %parallel_loop3A_500 = arith.remsi %parallel_loop3A_494, %parallel_loop3A_499 : i32
      %parallel_loop3A_501 = arith.constant 0 : i32
      %parallel_loop3A_502 = arith.cmpi ne, %parallel_loop3A_500, %parallel_loop3A_501 : i32
      %parallel_loop3A_503 = arith.constant 0 : i32
      %parallel_loop3A_504 = arith.cmpi slt, %parallel_loop3A_500, %parallel_loop3A_503 : i32
      %parallel_loop3A_505 = arith.constant 0 : i32
      %parallel_loop3A_506 = arith.cmpi slt, %parallel_loop3A_499, %parallel_loop3A_505 : i32
      %parallel_loop3A_507 = arith.xori %parallel_loop3A_504, %parallel_loop3A_506 : i1
      %parallel_loop3A_508 = arith.andi %parallel_loop3A_507, %parallel_loop3A_502 : i1
      %parallel_loop3A_509 = arith.addi %parallel_loop3A_500, %parallel_loop3A_499 : i32
      %parallel_loop3A_510 = arith.select %parallel_loop3A_508, %parallel_loop3A_509, %parallel_loop3A_500 : i32
      %parallel_loop3A_511 = arith.constant 2 : i32
      %parallel_loop3A_512 = arith.index_cast %parallel_loop3A_470 : i32 to index
      %parallel_loop3A_513 = arith.index_cast %parallel_loop3A_510 : i32 to index
      %parallel_loop3A_514 = arith.index_cast %parallel_loop3A_511 : i32 to index
      %parallel_loop3A_515 = arith.index_cast %parallel_loop3A_261 : i32 to index
      %parallel_loop3A_516 = tpu.vector_load %arg7[%parallel_loop3A_512, %parallel_loop3A_513, %parallel_loop3A_514, %parallel_loop3A_515] {strides = array<i32>} : memref<4x8x8x128xf32, #tpu.memory_space<vmem>>, vector<16xf32>,
      tpu.vector_store %arg7[%parallel_loop3A_512, %parallel_loop3A_513, %parallel_loop3A_514, %parallel_loop3A_515], %parallel_loop3A_286 {strides = array<i32>} : memref<4x8x8x128xf32, #tpu.memory_space<vmem>>, vector<16xf32>,
      %parallel_loop3A_517 = arith.constant 64 : i32
      %parallel_loop3A_518 = arith.divsi %parallel_loop3A_219, %parallel_loop3A_517 : i32
      %parallel_loop3A_519 = arith.constant 0 : i32
      %parallel_loop3A_520 = arith.cmpi sgt, %parallel_loop3A_219, %parallel_loop3A_519 : i32
      %parallel_loop3A_521 = arith.extui %parallel_loop3A_520 : i1 to i32
      %parallel_loop3A_522 = arith.constant 0 : i32
      %parallel_loop3A_523 = arith.cmpi slt, %parallel_loop3A_219, %parallel_loop3A_522 : i32
      %parallel_loop3A_524 = arith.extui %parallel_loop3A_523 : i1 to i32
      %parallel_loop3A_525 = arith.subi %parallel_loop3A_521, %parallel_loop3A_524 : i32
      %parallel_loop3A_526 = arith.constant 0 : i32
      %parallel_loop3A_527 = arith.cmpi sgt, %parallel_loop3A_517, %parallel_loop3A_526 : i32
      %parallel_loop3A_528 = arith.extui %parallel_loop3A_527 : i1 to i32
      %parallel_loop3A_529 = arith.constant 0 : i32
      %parallel_loop3A_530 = arith.cmpi slt, %parallel_loop3A_517, %parallel_loop3A_529 : i32
      %parallel_loop3A_531 = arith.extui %parallel_loop3A_530 : i1 to i32
      %parallel_loop3A_532 = arith.subi %parallel_loop3A_528, %parallel_loop3A_531 : i32
      %parallel_loop3A_533 = arith.cmpi ne, %parallel_loop3A_525, %parallel_loop3A_532 : i32
      %parallel_loop3A_534 = arith.remsi %parallel_loop3A_219, %parallel_loop3A_517 : i32
      %parallel_loop3A_535 = arith.constant 0 : i32
      %parallel_loop3A_536 = arith.cmpi ne, %parallel_loop3A_534, %parallel_loop3A_535 : i32
      %parallel_loop3A_537 = arith.andi %parallel_loop3A_533, %parallel_loop3A_536 : i1
      %parallel_loop3A_538 = arith.constant 1 : i32
      %parallel_loop3A_539 = arith.subi %parallel_loop3A_518, %parallel_loop3A_538 : i32
      %parallel_loop3A_540 = arith.select %parallel_loop3A_537, %parallel_loop3A_539, %parallel_loop3A_518 : i32
      %parallel_loop3A_541 = arith.constant 8 : i32
      %parallel_loop3A_542 = arith.divsi %parallel_loop3A_219, %parallel_loop3A_541 : i32
      %parallel_loop3A_543 = arith.constant 0 : i32
      %parallel_loop3A_544 = arith.cmpi sgt, %parallel_loop3A_219, %parallel_loop3A_543 : i32
      %parallel_loop3A_545 = arith.extui %parallel_loop3A_544 : i1 to i32
      %parallel_loop3A_546 = arith.constant 0 : i32
      %parallel_loop3A_547 = arith.cmpi slt, %parallel_loop3A_219, %parallel_loop3A_546 : i32
      %parallel_loop3A_548 = arith.extui %parallel_loop3A_547 : i1 to i32
      %parallel_loop3A_549 = arith.subi %parallel_loop3A_545, %parallel_loop3A_548 : i32
      %parallel_loop3A_550 = arith.constant 0 : i32
      %parallel_loop3A_551 = arith.cmpi sgt, %parallel_loop3A_541, %parallel_loop3A_550 : i32
      %parallel_loop3A_552 = arith.extui %parallel_loop3A_551 : i1 to i32
      %parallel_loop3A_553 = arith.constant 0 : i32
      %parallel_loop3A_554 = arith.cmpi slt, %parallel_loop3A_541, %parallel_loop3A_553 : i32
      %parallel_loop3A_555 = arith.extui %parallel_loop3A_554 : i1 to i32
      %parallel_loop3A_556 = arith.subi %parallel_loop3A_552, %parallel_loop3A_555 : i32
      %parallel_loop3A_557 = arith.cmpi ne, %parallel_loop3A_549, %parallel_loop3A_556 : i32
      %parallel_loop3A_558 = arith.remsi %parallel_loop3A_219, %parallel_loop3A_541 : i32
      %parallel_loop3A_559 = arith.constant 0 : i32
      %parallel_loop3A_560 = arith.cmpi ne, %parallel_loop3A_558, %parallel_loop3A_559 : i32
      %parallel_loop3A_561 = arith.andi %parallel_loop3A_557, %parallel_loop3A_560 : i1
      %parallel_loop3A_562 = arith.constant 1 : i32
      %parallel_loop3A_563 = arith.subi %parallel_loop3A_542, %parallel_loop3A_562 : i32
      %parallel_loop3A_564 = arith.select %parallel_loop3A_561, %parallel_loop3A_563, %parallel_loop3A_542 : i32
      %parallel_loop3A_565 = arith.constant 8 : i32
      %parallel_loop3A_566 = arith.constant 0 : i32
      %parallel_loop3A_567 = arith.cmpi eq, %parallel_loop3A_565, %parallel_loop3A_566 : i32
      %parallel_loop3A_568 = arith.constant 1 : i32
      %parallel_loop3A_569 = arith.select %parallel_loop3A_567, %parallel_loop3A_568, %parallel_loop3A_565 : i32
      %parallel_loop3A_570 = arith.remsi %parallel_loop3A_564, %parallel_loop3A_569 : i32
      %parallel_loop3A_571 = arith.constant 0 : i32
      %parallel_loop3A_572 = arith.cmpi ne, %parallel_loop3A_570, %parallel_loop3A_571 : i32
      %parallel_loop3A_573 = arith.constant 0 : i32
      %parallel_loop3A_574 = arith.cmpi slt, %parallel_loop3A_570, %parallel_loop3A_573 : i32
      %parallel_loop3A_575 = arith.constant 0 : i32
      %parallel_loop3A_576 = arith.cmpi slt, %parallel_loop3A_569, %parallel_loop3A_575 : i32
      %parallel_loop3A_577 = arith.xori %parallel_loop3A_574, %parallel_loop3A_576 : i1
      %parallel_loop3A_578 = arith.andi %parallel_loop3A_577, %parallel_loop3A_572 : i1
      %parallel_loop3A_579 = arith.addi %parallel_loop3A_570, %parallel_loop3A_569 : i32
      %parallel_loop3A_580 = arith.select %parallel_loop3A_578, %parallel_loop3A_579, %parallel_loop3A_570 : i32
      %parallel_loop3A_581 = arith.constant 3 : i32
      %parallel_loop3A_582 = arith.index_cast %parallel_loop3A_540 : i32 to index
      %parallel_loop3A_583 = arith.index_cast %parallel_loop3A_580 : i32 to index
      %parallel_loop3A_584 = arith.index_cast %parallel_loop3A_581 : i32 to index
      %parallel_loop3A_585 = arith.index_cast %parallel_loop3A_261 : i32 to index
      %parallel_loop3A_586 = tpu.vector_load %arg7[%parallel_loop3A_582, %parallel_loop3A_583, %parallel_loop3A_584, %parallel_loop3A_585] {strides = array<i32>} : memref<4x8x8x128xf32, #tpu.memory_space<vmem>>, vector<16xf32>,
      tpu.vector_store %arg7[%parallel_loop3A_582, %parallel_loop3A_583, %parallel_loop3A_584, %parallel_loop3A_585], %parallel_loop3A_290 {strides = array<i32>} : memref<4x8x8x128xf32, #tpu.memory_space<vmem>>, vector<16xf32>,
      %parallel_loop3A_587 = arith.constant 64 : i32
      %parallel_loop3A_588 = arith.divsi %parallel_loop3A_219, %parallel_loop3A_587 : i32
      %parallel_loop3A_589 = arith.constant 0 : i32
      %parallel_loop3A_590 = arith.cmpi sgt, %parallel_loop3A_219, %parallel_loop3A_589 : i32
      %parallel_loop3A_591 = arith.extui %parallel_loop3A_590 : i1 to i32
      %parallel_loop3A_592 = arith.constant 0 : i32
      %parallel_loop3A_593 = arith.cmpi slt, %parallel_loop3A_219, %parallel_loop3A_592 : i32
      %parallel_loop3A_594 = arith.extui %parallel_loop3A_593 : i1 to i32
      %parallel_loop3A_595 = arith.subi %parallel_loop3A_591, %parallel_loop3A_594 : i32
      %parallel_loop3A_596 = arith.constant 0 : i32
      %parallel_loop3A_597 = arith.cmpi sgt, %parallel_loop3A_587, %parallel_loop3A_596 : i32
      %parallel_loop3A_598 = arith.extui %parallel_loop3A_597 : i1 to i32
      %parallel_loop3A_599 = arith.constant 0 : i32
      %parallel_loop3A_600 = arith.cmpi slt, %parallel_loop3A_587, %parallel_loop3A_599 : i32
      %parallel_loop3A_601 = arith.extui %parallel_loop3A_600 : i1 to i32
      %parallel_loop3A_602 = arith.subi %parallel_loop3A_598, %parallel_loop3A_601 : i32
      %parallel_loop3A_603 = arith.cmpi ne, %parallel_loop3A_595, %parallel_loop3A_602 : i32
      %parallel_loop3A_604 = arith.remsi %parallel_loop3A_219, %parallel_loop3A_587 : i32
      %parallel_loop3A_605 = arith.constant 0 : i32
      %parallel_loop3A_606 = arith.cmpi ne, %parallel_loop3A_604, %parallel_loop3A_605 : i32
      %parallel_loop3A_607 = arith.andi %parallel_loop3A_603, %parallel_loop3A_606 : i1
      %parallel_loop3A_608 = arith.constant 1 : i32
      %parallel_loop3A_609 = arith.subi %parallel_loop3A_588, %parallel_loop3A_608 : i32
      %parallel_loop3A_610 = arith.select %parallel_loop3A_607, %parallel_loop3A_609, %parallel_loop3A_588 : i32
      %parallel_loop3A_611 = arith.constant 8 : i32
      %parallel_loop3A_612 = arith.divsi %parallel_loop3A_219, %parallel_loop3A_611 : i32
      %parallel_loop3A_613 = arith.constant 0 : i32
      %parallel_loop3A_614 = arith.cmpi sgt, %parallel_loop3A_219, %parallel_loop3A_613 : i32
      %parallel_loop3A_615 = arith.extui %parallel_loop3A_614 : i1 to i32
      %parallel_loop3A_616 = arith.constant 0 : i32
      %parallel_loop3A_617 = arith.cmpi slt, %parallel_loop3A_219, %parallel_loop3A_616 : i32
      %parallel_loop3A_618 = arith.extui %parallel_loop3A_617 : i1 to i32
      %parallel_loop3A_619 = arith.subi %parallel_loop3A_615, %parallel_loop3A_618 : i32
      %parallel_loop3A_620 = arith.constant 0 : i32
      %parallel_loop3A_621 = arith.cmpi sgt, %parallel_loop3A_611, %parallel_loop3A_620 : i32
      %parallel_loop3A_622 = arith.extui %parallel_loop3A_621 : i1 to i32
      %parallel_loop3A_623 = arith.constant 0 : i32
      %parallel_loop3A_624 = arith.cmpi slt, %parallel_loop3A_611, %parallel_loop3A_623 : i32
      %parallel_loop3A_625 = arith.extui %parallel_loop3A_624 : i1 to i32
      %parallel_loop3A_626 = arith.subi %parallel_loop3A_622, %parallel_loop3A_625 : i32
      %parallel_loop3A_627 = arith.cmpi ne, %parallel_loop3A_619, %parallel_loop3A_626 : i32
      %parallel_loop3A_628 = arith.remsi %parallel_loop3A_219, %parallel_loop3A_611 : i32
      %parallel_loop3A_629 = arith.constant 0 : i32
      %parallel_loop3A_630 = arith.cmpi ne, %parallel_loop3A_628, %parallel_loop3A_629 : i32
      %parallel_loop3A_631 = arith.andi %parallel_loop3A_627, %parallel_loop3A_630 : i1
      %parallel_loop3A_632 = arith.constant 1 : i32
      %parallel_loop3A_633 = arith.subi %parallel_loop3A_612, %parallel_loop3A_632 : i32
      %parallel_loop3A_634 = arith.select %parallel_loop3A_631, %parallel_loop3A_633, %parallel_loop3A_612 : i32
      %parallel_loop3A_635 = arith.constant 8 : i32
      %parallel_loop3A_636 = arith.constant 0 : i32
      %parallel_loop3A_637 = arith.cmpi eq, %parallel_loop3A_635, %parallel_loop3A_636 : i32
      %parallel_loop3A_638 = arith.constant 1 : i32
      %parallel_loop3A_639 = arith.select %parallel_loop3A_637, %parallel_loop3A_638, %parallel_loop3A_635 : i32
      %parallel_loop3A_640 = arith.remsi %parallel_loop3A_634, %parallel_loop3A_639 : i32
      %parallel_loop3A_641 = arith.constant 0 : i32
      %parallel_loop3A_642 = arith.cmpi ne, %parallel_loop3A_640, %parallel_loop3A_641 : i32
      %parallel_loop3A_643 = arith.constant 0 : i32
      %parallel_loop3A_644 = arith.cmpi slt, %parallel_loop3A_640, %parallel_loop3A_643 : i32
      %parallel_loop3A_645 = arith.constant 0 : i32
      %parallel_loop3A_646 = arith.cmpi slt, %parallel_loop3A_639, %parallel_loop3A_645 : i32
      %parallel_loop3A_647 = arith.xori %parallel_loop3A_644, %parallel_loop3A_646 : i1
      %parallel_loop3A_648 = arith.andi %parallel_loop3A_647, %parallel_loop3A_642 : i1
      %parallel_loop3A_649 = arith.addi %parallel_loop3A_640, %parallel_loop3A_639 : i32
      %parallel_loop3A_650 = arith.select %parallel_loop3A_648, %parallel_loop3A_649, %parallel_loop3A_640 : i32
      %parallel_loop3A_651 = arith.constant 4 : i32
      %parallel_loop3A_652 = arith.index_cast %parallel_loop3A_610 : i32 to index
      %parallel_loop3A_653 = arith.index_cast %parallel_loop3A_650 : i32 to index
      %parallel_loop3A_654 = arith.index_cast %parallel_loop3A_651 : i32 to index
      %parallel_loop3A_655 = arith.index_cast %parallel_loop3A_261 : i32 to index
      %parallel_loop3A_656 = tpu.vector_load %arg7[%parallel_loop3A_652, %parallel_loop3A_653, %parallel_loop3A_654, %parallel_loop3A_655] {strides = array<i32>} : memref<4x8x8x128xf32, #tpu.memory_space<vmem>>, vector<16xf32>,
      tpu.vector_store %arg7[%parallel_loop3A_652, %parallel_loop3A_653, %parallel_loop3A_654, %parallel_loop3A_655], %parallel_loop3A_294 {strides = array<i32>} : memref<4x8x8x128xf32, #tpu.memory_space<vmem>>, vector<16xf32>,
      %parallel_loop3A_657 = arith.constant 64 : i32
      %parallel_loop3A_658 = arith.divsi %parallel_loop3A_219, %parallel_loop3A_657 : i32
      %parallel_loop3A_659 = arith.constant 0 : i32
      %parallel_loop3A_660 = arith.cmpi sgt, %parallel_loop3A_219, %parallel_loop3A_659 : i32
      %parallel_loop3A_661 = arith.extui %parallel_loop3A_660 : i1 to i32
      %parallel_loop3A_662 = arith.constant 0 : i32
      %parallel_loop3A_663 = arith.cmpi slt, %parallel_loop3A_219, %parallel_loop3A_662 : i32
      %parallel_loop3A_664 = arith.extui %parallel_loop3A_663 : i1 to i32
      %parallel_loop3A_665 = arith.subi %parallel_loop3A_661, %parallel_loop3A_664 : i32
      %parallel_loop3A_666 = arith.constant 0 : i32
      %parallel_loop3A_667 = arith.cmpi sgt, %parallel_loop3A_657, %parallel_loop3A_666 : i32
      %parallel_loop3A_668 = arith.extui %parallel_loop3A_667 : i1 to i32
      %parallel_loop3A_669 = arith.constant 0 : i32
      %parallel_loop3A_670 = arith.cmpi slt, %parallel_loop3A_657, %parallel_loop3A_669 : i32
      %parallel_loop3A_671 = arith.extui %parallel_loop3A_670 : i1 to i32
      %parallel_loop3A_672 = arith.subi %parallel_loop3A_668, %parallel_loop3A_671 : i32
      %parallel_loop3A_673 = arith.cmpi ne, %parallel_loop3A_665, %parallel_loop3A_672 : i32
      %parallel_loop3A_674 = arith.remsi %parallel_loop3A_219, %parallel_loop3A_657 : i32
      %parallel_loop3A_675 = arith.constant 0 : i32
      %parallel_loop3A_676 = arith.cmpi ne, %parallel_loop3A_674, %parallel_loop3A_675 : i32
      %parallel_loop3A_677 = arith.andi %parallel_loop3A_673, %parallel_loop3A_676 : i1
      %parallel_loop3A_678 = arith.constant 1 : i32
      %parallel_loop3A_679 = arith.subi %parallel_loop3A_658, %parallel_loop3A_678 : i32
      %parallel_loop3A_680 = arith.select %parallel_loop3A_677, %parallel_loop3A_679, %parallel_loop3A_658 : i32
      %parallel_loop3A_681 = arith.constant 8 : i32
      %parallel_loop3A_682 = arith.divsi %parallel_loop3A_219, %parallel_loop3A_681 : i32
      %parallel_loop3A_683 = arith.constant 0 : i32
      %parallel_loop3A_684 = arith.cmpi sgt, %parallel_loop3A_219, %parallel_loop3A_683 : i32
      %parallel_loop3A_685 = arith.extui %parallel_loop3A_684 : i1 to i32
      %parallel_loop3A_686 = arith.constant 0 : i32
      %parallel_loop3A_687 = arith.cmpi slt, %parallel_loop3A_219, %parallel_loop3A_686 : i32
      %parallel_loop3A_688 = arith.extui %parallel_loop3A_687 : i1 to i32
      %parallel_loop3A_689 = arith.subi %parallel_loop3A_685, %parallel_loop3A_688 : i32
      %parallel_loop3A_690 = arith.constant 0 : i32
      %parallel_loop3A_691 = arith.cmpi sgt, %parallel_loop3A_681, %parallel_loop3A_690 : i32
      %parallel_loop3A_692 = arith.extui %parallel_loop3A_691 : i1 to i32
      %parallel_loop3A_693 = arith.constant 0 : i32
      %parallel_loop3A_694 = arith.cmpi slt, %parallel_loop3A_681, %parallel_loop3A_693 : i32
      %parallel_loop3A_695 = arith.extui %parallel_loop3A_694 : i1 to i32
      %parallel_loop3A_696 = arith.subi %parallel_loop3A_692, %parallel_loop3A_695 : i32
      %parallel_loop3A_697 = arith.cmpi ne, %parallel_loop3A_689, %parallel_loop3A_696 : i32
      %parallel_loop3A_698 = arith.remsi %parallel_loop3A_219, %parallel_loop3A_681 : i32
      %parallel_loop3A_699 = arith.constant 0 : i32
      %parallel_loop3A_700 = arith.cmpi ne, %parallel_loop3A_698, %parallel_loop3A_699 : i32
      %parallel_loop3A_701 = arith.andi %parallel_loop3A_697, %parallel_loop3A_700 : i1
      %parallel_loop3A_702 = arith.constant 1 : i32
      %parallel_loop3A_703 = arith.subi %parallel_loop3A_682, %parallel_loop3A_702 : i32
      %parallel_loop3A_704 = arith.select %parallel_loop3A_701, %parallel_loop3A_703, %parallel_loop3A_682 : i32
      %parallel_loop3A_705 = arith.constant 8 : i32
      %parallel_loop3A_706 = arith.constant 0 : i32
      %parallel_loop3A_707 = arith.cmpi eq, %parallel_loop3A_705, %parallel_loop3A_706 : i32
      %parallel_loop3A_708 = arith.constant 1 : i32
      %parallel_loop3A_709 = arith.select %parallel_loop3A_707, %parallel_loop3A_708, %parallel_loop3A_705 : i32
      %parallel_loop3A_710 = arith.remsi %parallel_loop3A_704, %parallel_loop3A_709 : i32
      %parallel_loop3A_711 = arith.constant 0 : i32
      %parallel_loop3A_712 = arith.cmpi ne, %parallel_loop3A_710, %parallel_loop3A_711 : i32
      %parallel_loop3A_713 = arith.constant 0 : i32
      %parallel_loop3A_714 = arith.cmpi slt, %parallel_loop3A_710, %parallel_loop3A_713 : i32
      %parallel_loop3A_715 = arith.constant 0 : i32
      %parallel_loop3A_716 = arith.cmpi slt, %parallel_loop3A_709, %parallel_loop3A_715 : i32
      %parallel_loop3A_717 = arith.xori %parallel_loop3A_714, %parallel_loop3A_716 : i1
      %parallel_loop3A_718 = arith.andi %parallel_loop3A_717, %parallel_loop3A_712 : i1
      %parallel_loop3A_719 = arith.addi %parallel_loop3A_710, %parallel_loop3A_709 : i32
      %parallel_loop3A_720 = arith.select %parallel_loop3A_718, %parallel_loop3A_719, %parallel_loop3A_710 : i32
      %parallel_loop3A_721 = arith.constant 5 : i32
      %parallel_loop3A_722 = arith.index_cast %parallel_loop3A_680 : i32 to index
      %parallel_loop3A_723 = arith.index_cast %parallel_loop3A_720 : i32 to index
      %parallel_loop3A_724 = arith.index_cast %parallel_loop3A_721 : i32 to index
      %parallel_loop3A_725 = arith.index_cast %parallel_loop3A_261 : i32 to index
      %parallel_loop3A_726 = tpu.vector_load %arg7[%parallel_loop3A_722, %parallel_loop3A_723, %parallel_loop3A_724, %parallel_loop3A_725] {strides = array<i32>} : memref<4x8x8x128xf32, #tpu.memory_space<vmem>>, vector<16xf32>,
      tpu.vector_store %arg7[%parallel_loop3A_722, %parallel_loop3A_723, %parallel_loop3A_724, %parallel_loop3A_725], %parallel_loop3A_298 {strides = array<i32>} : memref<4x8x8x128xf32, #tpu.memory_space<vmem>>, vector<16xf32>,
      %parallel_loop3A_727 = arith.constant 64 : i32
      %parallel_loop3A_728 = arith.divsi %parallel_loop3A_219, %parallel_loop3A_727 : i32
      %parallel_loop3A_729 = arith.constant 0 : i32
      %parallel_loop3A_730 = arith.cmpi sgt, %parallel_loop3A_219, %parallel_loop3A_729 : i32
      %parallel_loop3A_731 = arith.extui %parallel_loop3A_730 : i1 to i32
      %parallel_loop3A_732 = arith.constant 0 : i32
      %parallel_loop3A_733 = arith.cmpi slt, %parallel_loop3A_219, %parallel_loop3A_732 : i32
      %parallel_loop3A_734 = arith.extui %parallel_loop3A_733 : i1 to i32
      %parallel_loop3A_735 = arith.subi %parallel_loop3A_731, %parallel_loop3A_734 : i32
      %parallel_loop3A_736 = arith.constant 0 : i32
      %parallel_loop3A_737 = arith.cmpi sgt, %parallel_loop3A_727, %parallel_loop3A_736 : i32
      %parallel_loop3A_738 = arith.extui %parallel_loop3A_737 : i1 to i32
      %parallel_loop3A_739 = arith.constant 0 : i32
      %parallel_loop3A_740 = arith.cmpi slt, %parallel_loop3A_727, %parallel_loop3A_739 : i32
      %parallel_loop3A_741 = arith.extui %parallel_loop3A_740 : i1 to i32
      %parallel_loop3A_742 = arith.subi %parallel_loop3A_738, %parallel_loop3A_741 : i32
      %parallel_loop3A_743 = arith.cmpi ne, %parallel_loop3A_735, %parallel_loop3A_742 : i32
      %parallel_loop3A_744 = arith.remsi %parallel_loop3A_219, %parallel_loop3A_727 : i32
      %parallel_loop3A_745 = arith.constant 0 : i32
      %parallel_loop3A_746 = arith.cmpi ne, %parallel_loop3A_744, %parallel_loop3A_745 : i32
      %parallel_loop3A_747 = arith.andi %parallel_loop3A_743, %parallel_loop3A_746 : i1
      %parallel_loop3A_748 = arith.constant 1 : i32
      %parallel_loop3A_749 = arith.subi %parallel_loop3A_728, %parallel_loop3A_748 : i32
      %parallel_loop3A_750 = arith.select %parallel_loop3A_747, %parallel_loop3A_749, %parallel_loop3A_728 : i32
      %parallel_loop3A_751 = arith.constant 8 : i32
      %parallel_loop3A_752 = arith.divsi %parallel_loop3A_219, %parallel_loop3A_751 : i32
      %parallel_loop3A_753 = arith.constant 0 : i32
      %parallel_loop3A_754 = arith.cmpi sgt, %parallel_loop3A_219, %parallel_loop3A_753 : i32
      %parallel_loop3A_755 = arith.extui %parallel_loop3A_754 : i1 to i32
      %parallel_loop3A_756 = arith.constant 0 : i32
      %parallel_loop3A_757 = arith.cmpi slt, %parallel_loop3A_219, %parallel_loop3A_756 : i32
      %parallel_loop3A_758 = arith.extui %parallel_loop3A_757 : i1 to i32
      %parallel_loop3A_759 = arith.subi %parallel_loop3A_755, %parallel_loop3A_758 : i32
      %parallel_loop3A_760 = arith.constant 0 : i32
      %parallel_loop3A_761 = arith.cmpi sgt, %parallel_loop3A_751, %parallel_loop3A_760 : i32
      %parallel_loop3A_762 = arith.extui %parallel_loop3A_761 : i1 to i32
      %parallel_loop3A_763 = arith.constant 0 : i32
      %parallel_loop3A_764 = arith.cmpi slt, %parallel_loop3A_751, %parallel_loop3A_763 : i32
      %parallel_loop3A_765 = arith.extui %parallel_loop3A_764 : i1 to i32
      %parallel_loop3A_766 = arith.subi %parallel_loop3A_762, %parallel_loop3A_765 : i32
      %parallel_loop3A_767 = arith.cmpi ne, %parallel_loop3A_759, %parallel_loop3A_766 : i32
      %parallel_loop3A_768 = arith.remsi %parallel_loop3A_219, %parallel_loop3A_751 : i32
      %parallel_loop3A_769 = arith.constant 0 : i32
      %parallel_loop3A_770 = arith.cmpi ne, %parallel_loop3A_768, %parallel_loop3A_769 : i32
      %parallel_loop3A_771 = arith.andi %parallel_loop3A_767, %parallel_loop3A_770 : i1
      %parallel_loop3A_772 = arith.constant 1 : i32
      %parallel_loop3A_773 = arith.subi %parallel_loop3A_752, %parallel_loop3A_772 : i32
      %parallel_loop3A_774 = arith.select %parallel_loop3A_771, %parallel_loop3A_773, %parallel_loop3A_752 : i32
      %parallel_loop3A_775 = arith.constant 8 : i32
      %parallel_loop3A_776 = arith.constant 0 : i32
      %parallel_loop3A_777 = arith.cmpi eq, %parallel_loop3A_775, %parallel_loop3A_776 : i32
      %parallel_loop3A_778 = arith.constant 1 : i32
      %parallel_loop3A_779 = arith.select %parallel_loop3A_777, %parallel_loop3A_778, %parallel_loop3A_775 : i32
      %parallel_loop3A_780 = arith.remsi %parallel_loop3A_774, %parallel_loop3A_779 : i32
      %parallel_loop3A_781 = arith.constant 0 : i32
      %parallel_loop3A_782 = arith.cmpi ne, %parallel_loop3A_780, %parallel_loop3A_781 : i32
      %parallel_loop3A_783 = arith.constant 0 : i32
      %parallel_loop3A_784 = arith.cmpi slt, %parallel_loop3A_780, %parallel_loop3A_783 : i32
      %parallel_loop3A_785 = arith.constant 0 : i32
      %parallel_loop3A_786 = arith.cmpi slt, %parallel_loop3A_779, %parallel_loop3A_785 : i32
      %parallel_loop3A_787 = arith.xori %parallel_loop3A_784, %parallel_loop3A_786 : i1
      %parallel_loop3A_788 = arith.andi %parallel_loop3A_787, %parallel_loop3A_782 : i1
      %parallel_loop3A_789 = arith.addi %parallel_loop3A_780, %parallel_loop3A_779 : i32
      %parallel_loop3A_790 = arith.select %parallel_loop3A_788, %parallel_loop3A_789, %parallel_loop3A_780 : i32
      %parallel_loop3A_791 = arith.constant 6 : i32
      %parallel_loop3A_792 = arith.index_cast %parallel_loop3A_750 : i32 to index
      %parallel_loop3A_793 = arith.index_cast %parallel_loop3A_790 : i32 to index
      %parallel_loop3A_794 = arith.index_cast %parallel_loop3A_791 : i32 to index
      %parallel_loop3A_795 = arith.index_cast %parallel_loop3A_261 : i32 to index
      %parallel_loop3A_796 = tpu.vector_load %arg7[%parallel_loop3A_792, %parallel_loop3A_793, %parallel_loop3A_794, %parallel_loop3A_795] {strides = array<i32>} : memref<4x8x8x128xf32, #tpu.memory_space<vmem>>, vector<16xf32>,
      tpu.vector_store %arg7[%parallel_loop3A_792, %parallel_loop3A_793, %parallel_loop3A_794, %parallel_loop3A_795], %parallel_loop3A_302 {strides = array<i32>} : memref<4x8x8x128xf32, #tpu.memory_space<vmem>>, vector<16xf32>,
      %parallel_loop3A_797 = arith.constant 64 : i32
      %parallel_loop3A_798 = arith.divsi %parallel_loop3A_219, %parallel_loop3A_797 : i32
      %parallel_loop3A_799 = arith.constant 0 : i32
      %parallel_loop3A_800 = arith.cmpi sgt, %parallel_loop3A_219, %parallel_loop3A_799 : i32
      %parallel_loop3A_801 = arith.extui %parallel_loop3A_800 : i1 to i32
      %parallel_loop3A_802 = arith.constant 0 : i32
      %parallel_loop3A_803 = arith.cmpi slt, %parallel_loop3A_219, %parallel_loop3A_802 : i32
      %parallel_loop3A_804 = arith.extui %parallel_loop3A_803 : i1 to i32
      %parallel_loop3A_805 = arith.subi %parallel_loop3A_801, %parallel_loop3A_804 : i32
      %parallel_loop3A_806 = arith.constant 0 : i32
      %parallel_loop3A_807 = arith.cmpi sgt, %parallel_loop3A_797, %parallel_loop3A_806 : i32
      %parallel_loop3A_808 = arith.extui %parallel_loop3A_807 : i1 to i32
      %parallel_loop3A_809 = arith.constant 0 : i32
      %parallel_loop3A_810 = arith.cmpi slt, %parallel_loop3A_797, %parallel_loop3A_809 : i32
      %parallel_loop3A_811 = arith.extui %parallel_loop3A_810 : i1 to i32
      %parallel_loop3A_812 = arith.subi %parallel_loop3A_808, %parallel_loop3A_811 : i32
      %parallel_loop3A_813 = arith.cmpi ne, %parallel_loop3A_805, %parallel_loop3A_812 : i32
      %parallel_loop3A_814 = arith.remsi %parallel_loop3A_219, %parallel_loop3A_797 : i32
      %parallel_loop3A_815 = arith.constant 0 : i32
      %parallel_loop3A_816 = arith.cmpi ne, %parallel_loop3A_814, %parallel_loop3A_815 : i32
      %parallel_loop3A_817 = arith.andi %parallel_loop3A_813, %parallel_loop3A_816 : i1
      %parallel_loop3A_818 = arith.constant 1 : i32
      %parallel_loop3A_819 = arith.subi %parallel_loop3A_798, %parallel_loop3A_818 : i32
      %parallel_loop3A_820 = arith.select %parallel_loop3A_817, %parallel_loop3A_819, %parallel_loop3A_798 : i32
      %parallel_loop3A_821 = arith.constant 8 : i32
      %parallel_loop3A_822 = arith.divsi %parallel_loop3A_219, %parallel_loop3A_821 : i32
      %parallel_loop3A_823 = arith.constant 0 : i32
      %parallel_loop3A_824 = arith.cmpi sgt, %parallel_loop3A_219, %parallel_loop3A_823 : i32
      %parallel_loop3A_825 = arith.extui %parallel_loop3A_824 : i1 to i32
      %parallel_loop3A_826 = arith.constant 0 : i32
      %parallel_loop3A_827 = arith.cmpi slt, %parallel_loop3A_219, %parallel_loop3A_826 : i32
      %parallel_loop3A_828 = arith.extui %parallel_loop3A_827 : i1 to i32
      %parallel_loop3A_829 = arith.subi %parallel_loop3A_825, %parallel_loop3A_828 : i32
      %parallel_loop3A_830 = arith.constant 0 : i32
      %parallel_loop3A_831 = arith.cmpi sgt, %parallel_loop3A_821, %parallel_loop3A_830 : i32
      %parallel_loop3A_832 = arith.extui %parallel_loop3A_831 : i1 to i32
      %parallel_loop3A_833 = arith.constant 0 : i32
      %parallel_loop3A_834 = arith.cmpi slt, %parallel_loop3A_821, %parallel_loop3A_833 : i32
      %parallel_loop3A_835 = arith.extui %parallel_loop3A_834 : i1 to i32
      %parallel_loop3A_836 = arith.subi %parallel_loop3A_832, %parallel_loop3A_835 : i32
      %parallel_loop3A_837 = arith.cmpi ne, %parallel_loop3A_829, %parallel_loop3A_836 : i32
      %parallel_loop3A_838 = arith.remsi %parallel_loop3A_219, %parallel_loop3A_821 : i32
      %parallel_loop3A_839 = arith.constant 0 : i32
      %parallel_loop3A_840 = arith.cmpi ne, %parallel_loop3A_838, %parallel_loop3A_839 : i32
      %parallel_loop3A_841 = arith.andi %parallel_loop3A_837, %parallel_loop3A_840 : i1
      %parallel_loop3A_842 = arith.constant 1 : i32
      %parallel_loop3A_843 = arith.subi %parallel_loop3A_822, %parallel_loop3A_842 : i32
      %parallel_loop3A_844 = arith.select %parallel_loop3A_841, %parallel_loop3A_843, %parallel_loop3A_822 : i32
      %parallel_loop3A_845 = arith.constant 8 : i32
      %parallel_loop3A_846 = arith.constant 0 : i32
      %parallel_loop3A_847 = arith.cmpi eq, %parallel_loop3A_845, %parallel_loop3A_846 : i32
      %parallel_loop3A_848 = arith.constant 1 : i32
      %parallel_loop3A_849 = arith.select %parallel_loop3A_847, %parallel_loop3A_848, %parallel_loop3A_845 : i32
      %parallel_loop3A_850 = arith.remsi %parallel_loop3A_844, %parallel_loop3A_849 : i32
      %parallel_loop3A_851 = arith.constant 0 : i32
      %parallel_loop3A_852 = arith.cmpi ne, %parallel_loop3A_850, %parallel_loop3A_851 : i32
      %parallel_loop3A_853 = arith.constant 0 : i32
      %parallel_loop3A_854 = arith.cmpi slt, %parallel_loop3A_850, %parallel_loop3A_853 : i32
      %parallel_loop3A_855 = arith.constant 0 : i32
      %parallel_loop3A_856 = arith.cmpi slt, %parallel_loop3A_849, %parallel_loop3A_855 : i32
      %parallel_loop3A_857 = arith.xori %parallel_loop3A_854, %parallel_loop3A_856 : i1
      %parallel_loop3A_858 = arith.andi %parallel_loop3A_857, %parallel_loop3A_852 : i1
      %parallel_loop3A_859 = arith.addi %parallel_loop3A_850, %parallel_loop3A_849 : i32
      %parallel_loop3A_860 = arith.select %parallel_loop3A_858, %parallel_loop3A_859, %parallel_loop3A_850 : i32
      %parallel_loop3A_861 = arith.constant 7 : i32
      %parallel_loop3A_862 = arith.index_cast %parallel_loop3A_820 : i32 to index
      %parallel_loop3A_863 = arith.index_cast %parallel_loop3A_860 : i32 to index
      %parallel_loop3A_864 = arith.index_cast %parallel_loop3A_861 : i32 to index
      %parallel_loop3A_865 = arith.index_cast %parallel_loop3A_261 : i32 to index
      %parallel_loop3A_866 = tpu.vector_load %arg7[%parallel_loop3A_862, %parallel_loop3A_863, %parallel_loop3A_864, %parallel_loop3A_865] {strides = array<i32>} : memref<4x8x8x128xf32, #tpu.memory_space<vmem>>, vector<16xf32>,
      tpu.vector_store %arg7[%parallel_loop3A_862, %parallel_loop3A_863, %parallel_loop3A_864, %parallel_loop3A_865], %parallel_loop3A_306 {strides = array<i32>} : memref<4x8x8x128xf32, #tpu.memory_space<vmem>>, vector<16xf32>,
    } {sc.loop_unroll_factor = 4 : i64, sc.parallel_access}
    %mul3A_37 = arith.constant 4 : i32
    %mul3A_38 = arith.muli %select_n3A, %mul3A_37 : i32
    %add3A_39 = arith.constant 0 : i32
    %add3A_40 = arith.addi %mul3A_38, %add3A_39 : i32
    %dma_start3A = arith.constant 0 : i32
    %dma_start3A_41 = arith.constant 0 : i32
    %dma_start3A_42 = arith.constant 0 : i32
    %dma_start3A_43 = arith.constant 0 : i32
    %dma_start3A_44 = tpu.memref_slice %arg7[%dma_start3A, %dma_start3A_41, %dma_start3A_42, %dma_start3A_43] : memref<4x8x8x128xf32, #tpu.memory_space<vmem>> -> memref<1x8x8x128xf32, #tpu.memory_space<vmem>>
    %dma_start3A_45 = tpu.memref_squeeze %dma_start3A_44 : memref<1x8x8x128xf32, #tpu.memory_space<vmem>> -> memref<8x8x128xf32, #tpu.memory_space<vmem>>
    %dma_start3A_46 = arith.constant 0 : i32
    %dma_start3A_47 = arith.constant 0 : i32
    %dma_start3A_48 = arith.constant 0 : i32
    %dma_start3A_49 = tpu.memref_slice %arg4[%add3A_40, %select_n3A_30, %dma_start3A_46, %dma_start3A_47, %dma_start3A_48] : memref<16x8x8x8x128xf32, #tpu.memory_space<hbm>> -> memref<1x1x8x8x128xf32, #tpu.memory_space<hbm>>
    %dma_start3A_50 = tpu.memref_squeeze %dma_start3A_49 : memref<1x1x8x8x128xf32, #tpu.memory_space<hbm>> -> memref<8x8x128xf32, #tpu.memory_space<hbm>>
    %dma_start3A_51 = arith.constant 0 : i32
    %dma_start3A_52 = arith.constant 0 : i32
    %dma_start3A_53 = arith.constant 0 : i32
    %dma_start3A_54 = tpu.memref_slice %arg4[%add3A_40, %select_n3A_30, %dma_start3A_51, %dma_start3A_52, %dma_start3A_53] : memref<16x8x8x8x128xf32, #tpu.memory_space<hbm>> -> memref<1x1x8x8x128xf32, #tpu.memory_space<hbm>>
    %dma_start3A_55 = tpu.memref_squeeze %dma_start3A_54 : memref<1x1x8x8x128xf32, #tpu.memory_space<hbm>> -> memref<8x8x128xf32, #tpu.memory_space<hbm>>
    %dma_start3A_56 = arith.constant 0 : i32
    %dma_start3A_57 = arith.constant 0 : i32
    %dma_start3A_58 = arith.constant 0 : i32
    %dma_start3A_59 = tpu.memref_slice %arg7[%dma_start3A, %dma_start3A_56, %dma_start3A_57, %dma_start3A_58] : memref<4x8x8x128xf32, #tpu.memory_space<vmem>> -> memref<1x8x8x128xf32, #tpu.memory_space<vmem>>
    %dma_start3A_60 = tpu.memref_squeeze %dma_start3A_59 : memref<1x8x8x128xf32, #tpu.memory_space<vmem>> -> memref<8x8x128xf32, #tpu.memory_space<vmem>>
    tpu.enqueue_dma source(%dma_start3A_60 : memref<8x8x128xf32, #tpu.memory_space<vmem>>) target(%dma_start3A_55 : memref<8x8x128xf32, #tpu.memory_space<hbm>>) target_semaphore(%arg8 : memref<!tpu.dma_semaphore, #tpu.memory_space<semaphore_mem>>)
    %mul3A_61 = arith.constant 4 : i32
    %mul3A_62 = arith.muli %select_n3A, %mul3A_61 : i32
    %add3A_63 = arith.constant 1 : i32
    %add3A_64 = arith.addi %mul3A_62, %add3A_63 : i32
    %dma_start3A_65 = arith.constant 1 : i32
    %dma_start3A_66 = arith.constant 0 : i32
    %dma_start3A_67 = arith.constant 0 : i32
    %dma_start3A_68 = arith.constant 0 : i32
    %dma_start3A_69 = tpu.memref_slice %arg7[%dma_start3A_65, %dma_start3A_66, %dma_start3A_67, %dma_start3A_68] : memref<4x8x8x128xf32, #tpu.memory_space<vmem>> -> memref<1x8x8x128xf32, #tpu.memory_space<vmem>>
    %dma_start3A_70 = tpu.memref_squeeze %dma_start3A_69 : memref<1x8x8x128xf32, #tpu.memory_space<vmem>> -> memref<8x8x128xf32, #tpu.memory_space<vmem>>
    %dma_start3A_71 = arith.constant 0 : i32
    %dma_start3A_72 = arith.constant 0 : i32
    %dma_start3A_73 = arith.constant 0 : i32
    %dma_start3A_74 = tpu.memref_slice %arg4[%add3A_64, %select_n3A_30, %dma_start3A_71, %dma_start3A_72, %dma_start3A_73] : memref<16x8x8x8x128xf32, #tpu.memory_space<hbm>> -> memref<1x1x8x8x128xf32, #tpu.memory_space<hbm>>
    %dma_start3A_75 = tpu.memref_squeeze %dma_start3A_74 : memref<1x1x8x8x128xf32, #tpu.memory_space<hbm>> -> memref<8x8x128xf32, #tpu.memory_space<hbm>>
    %dma_start3A_76 = arith.constant 0 : i32
    %dma_start3A_77 = arith.constant 0 : i32
    %dma_start3A_78 = arith.constant 0 : i32
    %dma_start3A_79 = tpu.memref_slice %arg4[%add3A_64, %select_n3A_30, %dma_start3A_76, %dma_start3A_77, %dma_start3A_78] : memref<16x8x8x8x128xf32, #tpu.memory_space<hbm>> -> memref<1x1x8x8x128xf32, #tpu.memory_space<hbm>>
    %dma_start3A_80 = tpu.memref_squeeze %dma_start3A_79 : memref<1x1x8x8x128xf32, #tpu.memory_space<hbm>> -> memref<8x8x128xf32, #tpu.memory_space<hbm>>
    %dma_start3A_81 = arith.constant 0 : i32
    %dma_start3A_82 = arith.constant 0 : i32
    %dma_start3A_83 = arith.constant 0 : i32
    %dma_start3A_84 = tpu.memref_slice %arg7[%dma_start3A_65, %dma_start3A_81, %dma_start3A_82, %dma_start3A_83] : memref<4x8x8x128xf32, #tpu.memory_space<vmem>> -> memref<1x8x8x128xf32, #tpu.memory_space<vmem>>
    %dma_start3A_85 = tpu.memref_squeeze %dma_start3A_84 : memref<1x8x8x128xf32, #tpu.memory_space<vmem>> -> memref<8x8x128xf32, #tpu.memory_space<vmem>>
    tpu.enqueue_dma source(%dma_start3A_85 : memref<8x8x128xf32, #tpu.memory_space<vmem>>) target(%dma_start3A_80 : memref<8x8x128xf32, #tpu.memory_space<hbm>>) target_semaphore(%arg8 : memref<!tpu.dma_semaphore, #tpu.memory_space<semaphore_mem>>)
    %mul3A_86 = arith.constant 4 : i32
    %mul3A_87 = arith.muli %select_n3A, %mul3A_86 : i32
    %add3A_88 = arith.constant 2 : i32
    %add3A_89 = arith.addi %mul3A_87, %add3A_88 : i32
    %dma_start3A_90 = arith.constant 2 : i32
    %dma_start3A_91 = arith.constant 0 : i32
    %dma_start3A_92 = arith.constant 0 : i32
    %dma_start3A_93 = arith.constant 0 : i32
    %dma_start3A_94 = tpu.memref_slice %arg7[%dma_start3A_90, %dma_start3A_91, %dma_start3A_92, %dma_start3A_93] : memref<4x8x8x128xf32, #tpu.memory_space<vmem>> -> memref<1x8x8x128xf32, #tpu.memory_space<vmem>>
    %dma_start3A_95 = tpu.memref_squeeze %dma_start3A_94 : memref<1x8x8x128xf32, #tpu.memory_space<vmem>> -> memref<8x8x128xf32, #tpu.memory_space<vmem>>
    %dma_start3A_96 = arith.constant 0 : i32
    %dma_start3A_97 = arith.constant 0 : i32
    %dma_start3A_98 = arith.constant 0 : i32
    %dma_start3A_99 = tpu.memref_slice %arg4[%add3A_89, %select_n3A_30, %dma_start3A_96, %dma_start3A_97, %dma_start3A_98] : memref<16x8x8x8x128xf32, #tpu.memory_space<hbm>> -> memref<1x1x8x8x128xf32, #tpu.memory_space<hbm>>
    %dma_start3A_100 = tpu.memref_squeeze %dma_start3A_99 : memref<1x1x8x8x128xf32, #tpu.memory_space<hbm>> -> memref<8x8x128xf32, #tpu.memory_space<hbm>>
    %dma_start3A_101 = arith.constant 0 : i32
    %dma_start3A_102 = arith.constant 0 : i32
    %dma_start3A_103 = arith.constant 0 : i32
    %dma_start3A_104 = tpu.memref_slice %arg4[%add3A_89, %select_n3A_30, %dma_start3A_101, %dma_start3A_102, %dma_start3A_103] : memref<16x8x8x8x128xf32, #tpu.memory_space<hbm>> -> memref<1x1x8x8x128xf32, #tpu.memory_space<hbm>>
    %dma_start3A_105 = tpu.memref_squeeze %dma_start3A_104 : memref<1x1x8x8x128xf32, #tpu.memory_space<hbm>> -> memref<8x8x128xf32, #tpu.memory_space<hbm>>
    %dma_start3A_106 = arith.constant 0 : i32
    %dma_start3A_107 = arith.constant 0 : i32
    %dma_start3A_108 = arith.constant 0 : i32
    %dma_start3A_109 = tpu.memref_slice %arg7[%dma_start3A_90, %dma_start3A_106, %dma_start3A_107, %dma_start3A_108] : memref<4x8x8x128xf32, #tpu.memory_space<vmem>> -> memref<1x8x8x128xf32, #tpu.memory_space<vmem>>
    %dma_start3A_110 = tpu.memref_squeeze %dma_start3A_109 : memref<1x8x8x128xf32, #tpu.memory_space<vmem>> -> memref<8x8x128xf32, #tpu.memory_space<vmem>>
    tpu.enqueue_dma source(%dma_start3A_110 : memref<8x8x128xf32, #tpu.memory_space<vmem>>) target(%dma_start3A_105 : memref<8x8x128xf32, #tpu.memory_space<hbm>>) target_semaphore(%arg8 : memref<!tpu.dma_semaphore, #tpu.memory_space<semaphore_mem>>)
    %mul3A_111 = arith.constant 4 : i32
    %mul3A_112 = arith.muli %select_n3A, %mul3A_111 : i32
    %add3A_113 = arith.constant 3 : i32
    %add3A_114 = arith.addi %mul3A_112, %add3A_113 : i32
    %dma_start3A_115 = arith.constant 3 : i32
    %dma_start3A_116 = arith.constant 0 : i32
    %dma_start3A_117 = arith.constant 0 : i32
    %dma_start3A_118 = arith.constant 0 : i32
    %dma_start3A_119 = tpu.memref_slice %arg7[%dma_start3A_115, %dma_start3A_116, %dma_start3A_117, %dma_start3A_118] : memref<4x8x8x128xf32, #tpu.memory_space<vmem>> -> memref<1x8x8x128xf32, #tpu.memory_space<vmem>>
    %dma_start3A_120 = tpu.memref_squeeze %dma_start3A_119 : memref<1x8x8x128xf32, #tpu.memory_space<vmem>> -> memref<8x8x128xf32, #tpu.memory_space<vmem>>
    %dma_start3A_121 = arith.constant 0 : i32
    %dma_start3A_122 = arith.constant 0 : i32
    %dma_start3A_123 = arith.constant 0 : i32
    %dma_start3A_124 = tpu.memref_slice %arg4[%add3A_114, %select_n3A_30, %dma_start3A_121, %dma_start3A_122, %dma_start3A_123] : memref<16x8x8x8x128xf32, #tpu.memory_space<hbm>> -> memref<1x1x8x8x128xf32, #tpu.memory_space<hbm>>
    %dma_start3A_125 = tpu.memref_squeeze %dma_start3A_124 : memref<1x1x8x8x128xf32, #tpu.memory_space<hbm>> -> memref<8x8x128xf32, #tpu.memory_space<hbm>>
    %dma_start3A_126 = arith.constant 0 : i32
    %dma_start3A_127 = arith.constant 0 : i32
    %dma_start3A_128 = arith.constant 0 : i32
    %dma_start3A_129 = tpu.memref_slice %arg4[%add3A_114, %select_n3A_30, %dma_start3A_126, %dma_start3A_127, %dma_start3A_128] : memref<16x8x8x8x128xf32, #tpu.memory_space<hbm>> -> memref<1x1x8x8x128xf32, #tpu.memory_space<hbm>>
    %dma_start3A_130 = tpu.memref_squeeze %dma_start3A_129 : memref<1x1x8x8x128xf32, #tpu.memory_space<hbm>> -> memref<8x8x128xf32, #tpu.memory_space<hbm>>
    %dma_start3A_131 = arith.constant 0 : i32
    %dma_start3A_132 = arith.constant 0 : i32
    %dma_start3A_133 = arith.constant 0 : i32
    %dma_start3A_134 = tpu.memref_slice %arg7[%dma_start3A_115, %dma_start3A_131, %dma_start3A_132, %dma_start3A_133] : memref<4x8x8x128xf32, #tpu.memory_space<vmem>> -> memref<1x8x8x128xf32, #tpu.memory_space<vmem>>
    %dma_start3A_135 = tpu.memref_squeeze %dma_start3A_134 : memref<1x8x8x128xf32, #tpu.memory_space<vmem>> -> memref<8x8x128xf32, #tpu.memory_space<vmem>>
    tpu.enqueue_dma source(%dma_start3A_135 : memref<8x8x128xf32, #tpu.memory_space<vmem>>) target(%dma_start3A_130 : memref<8x8x128xf32, #tpu.memory_space<hbm>>) target_semaphore(%arg8 : memref<!tpu.dma_semaphore, #tpu.memory_space<semaphore_mem>>)
    %dma_wait3A = arith.constant 0 : i32
    %dma_wait3A_136 = arith.constant 0 : i32
    %dma_wait3A_137 = arith.constant 0 : i32
    %dma_wait3A_138 = arith.constant 0 : i32
    %dma_wait3A_139 = tpu.memref_slice %arg7[%dma_wait3A, %dma_wait3A_136, %dma_wait3A_137, %dma_wait3A_138] : memref<4x8x8x128xf32, #tpu.memory_space<vmem>> -> memref<1x8x8x128xf32, #tpu.memory_space<vmem>>
    %dma_wait3A_140 = tpu.memref_squeeze %dma_wait3A_139 : memref<1x8x8x128xf32, #tpu.memory_space<vmem>> -> memref<8x8x128xf32, #tpu.memory_space<vmem>>
    %dma_wait3A_141 = arith.constant 0 : i32
    %dma_wait3A_142 = arith.constant 0 : i32
    %dma_wait3A_143 = arith.constant 0 : i32
    %dma_wait3A_144 = tpu.memref_slice %arg4[%add3A_40, %select_n3A_30, %dma_wait3A_141, %dma_wait3A_142, %dma_wait3A_143] : memref<16x8x8x8x128xf32, #tpu.memory_space<hbm>> -> memref<1x1x8x8x128xf32, #tpu.memory_space<hbm>>
    %dma_wait3A_145 = tpu.memref_squeeze %dma_wait3A_144 : memref<1x1x8x8x128xf32, #tpu.memory_space<hbm>> -> memref<8x8x128xf32, #tpu.memory_space<hbm>>
    %dma_wait3A_146 = arith.constant 0 : i32
    %dma_wait3A_147 = arith.constant 0 : i32
    %dma_wait3A_148 = arith.constant 0 : i32
    %dma_wait3A_149 = tpu.memref_slice %arg4[%add3A_40, %select_n3A_30, %dma_wait3A_146, %dma_wait3A_147, %dma_wait3A_148] : memref<16x8x8x8x128xf32, #tpu.memory_space<hbm>> -> memref<1x1x8x8x128xf32, #tpu.memory_space<hbm>>
    %dma_wait3A_150 = tpu.memref_squeeze %dma_wait3A_149 : memref<1x1x8x8x128xf32, #tpu.memory_space<hbm>> -> memref<8x8x128xf32, #tpu.memory_space<hbm>>
    %dma_wait3A_151 = arith.constant 0 : i32
    %dma_wait3A_152 = arith.constant 0 : i32
    %dma_wait3A_153 = arith.constant 0 : i32
    %dma_wait3A_154 = tpu.memref_slice %arg7[%dma_wait3A, %dma_wait3A_151, %dma_wait3A_152, %dma_wait3A_153] : memref<4x8x8x128xf32, #tpu.memory_space<vmem>> -> memref<1x8x8x128xf32, #tpu.memory_space<vmem>>
    %dma_wait3A_155 = tpu.memref_squeeze %dma_wait3A_154 : memref<1x8x8x128xf32, #tpu.memory_space<vmem>> -> memref<8x8x128xf32, #tpu.memory_space<vmem>>
    tpu.wait_dma2 semaphore(%arg8 : memref<!tpu.dma_semaphore, #tpu.memory_space<semaphore_mem>>) src(%dma_wait3A_155 : memref<8x8x128xf32, #tpu.memory_space<vmem>>) dst(%dma_wait3A_150 : memref<8x8x128xf32, #tpu.memory_space<hbm>>)
    %dma_wait3A_156 = arith.constant 1 : i32
    %dma_wait3A_157 = arith.constant 0 : i32
    %dma_wait3A_158 = arith.constant 0 : i32
    %dma_wait3A_159 = arith.constant 0 : i32
    %dma_wait3A_160 = tpu.memref_slice %arg7[%dma_wait3A_156, %dma_wait3A_157, %dma_wait3A_158, %dma_wait3A_159] : memref<4x8x8x128xf32, #tpu.memory_space<vmem>> -> memref<1x8x8x128xf32, #tpu.memory_space<vmem>>
    %dma_wait3A_161 = tpu.memref_squeeze %dma_wait3A_160 : memref<1x8x8x128xf32, #tpu.memory_space<vmem>> -> memref<8x8x128xf32, #tpu.memory_space<vmem>>
    %dma_wait3A_162 = arith.constant 0 : i32
    %dma_wait3A_163 = arith.constant 0 : i32
    %dma_wait3A_164 = arith.constant 0 : i32
    %dma_wait3A_165 = tpu.memref_slice %arg4[%add3A_64, %select_n3A_30, %dma_wait3A_162, %dma_wait3A_163, %dma_wait3A_164] : memref<16x8x8x8x128xf32, #tpu.memory_space<hbm>> -> memref<1x1x8x8x128xf32, #tpu.memory_space<hbm>>
    %dma_wait3A_166 = tpu.memref_squeeze %dma_wait3A_165 : memref<1x1x8x8x128xf32, #tpu.memory_space<hbm>> -> memref<8x8x128xf32, #tpu.memory_space<hbm>>
    %dma_wait3A_167 = arith.constant 0 : i32
    %dma_wait3A_168 = arith.constant 0 : i32
    %dma_wait3A_169 = arith.constant 0 : i32
    %dma_wait3A_170 = tpu.memref_slice %arg4[%add3A_64, %select_n3A_30, %dma_wait3A_167, %dma_wait3A_168, %dma_wait3A_169] : memref<16x8x8x8x128xf32, #tpu.memory_space<hbm>> -> memref<1x1x8x8x128xf32, #tpu.memory_space<hbm>>
    %dma_wait3A_171 = tpu.memref_squeeze %dma_wait3A_170 : memref<1x1x8x8x128xf32, #tpu.memory_space<hbm>> -> memref<8x8x128xf32, #tpu.memory_space<hbm>>
    %dma_wait3A_172 = arith.constant 0 : i32
    %dma_wait3A_173 = arith.constant 0 : i32
    %dma_wait3A_174 = arith.constant 0 : i32
    %dma_wait3A_175 = tpu.memref_slice %arg7[%dma_wait3A_156, %dma_wait3A_172, %dma_wait3A_173, %dma_wait3A_174] : memref<4x8x8x128xf32, #tpu.memory_space<vmem>> -> memref<1x8x8x128xf32, #tpu.memory_space<vmem>>
    %dma_wait3A_176 = tpu.memref_squeeze %dma_wait3A_175 : memref<1x8x8x128xf32, #tpu.memory_space<vmem>> -> memref<8x8x128xf32, #tpu.memory_space<vmem>>
    tpu.wait_dma2 semaphore(%arg8 : memref<!tpu.dma_semaphore, #tpu.memory_space<semaphore_mem>>) src(%dma_wait3A_176 : memref<8x8x128xf32, #tpu.memory_space<vmem>>) dst(%dma_wait3A_171 : memref<8x8x128xf32, #tpu.memory_space<hbm>>)
    %dma_wait3A_177 = arith.constant 2 : i32
    %dma_wait3A_178 = arith.constant 0 : i32
    %dma_wait3A_179 = arith.constant 0 : i32
    %dma_wait3A_180 = arith.constant 0 : i32
    %dma_wait3A_181 = tpu.memref_slice %arg7[%dma_wait3A_177, %dma_wait3A_178, %dma_wait3A_179, %dma_wait3A_180] : memref<4x8x8x128xf32, #tpu.memory_space<vmem>> -> memref<1x8x8x128xf32, #tpu.memory_space<vmem>>
    %dma_wait3A_182 = tpu.memref_squeeze %dma_wait3A_181 : memref<1x8x8x128xf32, #tpu.memory_space<vmem>> -> memref<8x8x128xf32, #tpu.memory_space<vmem>>
    %dma_wait3A_183 = arith.constant 0 : i32
    %dma_wait3A_184 = arith.constant 0 : i32
    %dma_wait3A_185 = arith.constant 0 : i32
    %dma_wait3A_186 = tpu.memref_slice %arg4[%add3A_89, %select_n3A_30, %dma_wait3A_183, %dma_wait3A_184, %dma_wait3A_185] : memref<16x8x8x8x128xf32, #tpu.memory_space<hbm>> -> memref<1x1x8x8x128xf32, #tpu.memory_space<hbm>>
    %dma_wait3A_187 = tpu.memref_squeeze %dma_wait3A_186 : memref<1x1x8x8x128xf32, #tpu.memory_space<hbm>> -> memref<8x8x128xf32, #tpu.memory_space<hbm>>
    %dma_wait3A_188 = arith.constant 0 : i32
    %dma_wait3A_189 = arith.constant 0 : i32
    %dma_wait3A_190 = arith.constant 0 : i32
    %dma_wait3A_191 = tpu.memref_slice %arg4[%add3A_89, %select_n3A_30, %dma_wait3A_188, %dma_wait3A_189, %dma_wait3A_190] : memref<16x8x8x8x128xf32, #tpu.memory_space<hbm>> -> memref<1x1x8x8x128xf32, #tpu.memory_space<hbm>>
    %dma_wait3A_192 = tpu.memref_squeeze %dma_wait3A_191 : memref<1x1x8x8x128xf32, #tpu.memory_space<hbm>> -> memref<8x8x128xf32, #tpu.memory_space<hbm>>
    %dma_wait3A_193 = arith.constant 0 : i32
    %dma_wait3A_194 = arith.constant 0 : i32
    %dma_wait3A_195 = arith.constant 0 : i32
    %dma_wait3A_196 = tpu.memref_slice %arg7[%dma_wait3A_177, %dma_wait3A_193, %dma_wait3A_194, %dma_wait3A_195] : memref<4x8x8x128xf32, #tpu.memory_space<vmem>> -> memref<1x8x8x128xf32, #tpu.memory_space<vmem>>
    %dma_wait3A_197 = tpu.memref_squeeze %dma_wait3A_196 : memref<1x8x8x128xf32, #tpu.memory_space<vmem>> -> memref<8x8x128xf32, #tpu.memory_space<vmem>>
    tpu.wait_dma2 semaphore(%arg8 : memref<!tpu.dma_semaphore, #tpu.memory_space<semaphore_mem>>) src(%dma_wait3A_197 : memref<8x8x128xf32, #tpu.memory_space<vmem>>) dst(%dma_wait3A_192 : memref<8x8x128xf32, #tpu.memory_space<hbm>>)
    %dma_wait3A_198 = arith.constant 3 : i32
    %dma_wait3A_199 = arith.constant 0 : i32
    %dma_wait3A_200 = arith.constant 0 : i32
    %dma_wait3A_201 = arith.constant 0 : i32
    %dma_wait3A_202 = tpu.memref_slice %arg7[%dma_wait3A_198, %dma_wait3A_199, %dma_wait3A_200, %dma_wait3A_201] : memref<4x8x8x128xf32, #tpu.memory_space<vmem>> -> memref<1x8x8x128xf32, #tpu.memory_space<vmem>>
    %dma_wait3A_203 = tpu.memref_squeeze %dma_wait3A_202 : memref<1x8x8x128xf32, #tpu.memory_space<vmem>> -> memref<8x8x128xf32, #tpu.memory_space<vmem>>
    %dma_wait3A_204 = arith.constant 0 : i32
    %dma_wait3A_205 = arith.constant 0 : i32
    %dma_wait3A_206 = arith.constant 0 : i32
    %dma_wait3A_207 = tpu.memref_slice %arg4[%add3A_114, %select_n3A_30, %dma_wait3A_204, %dma_wait3A_205, %dma_wait3A_206] : memref<16x8x8x8x128xf32, #tpu.memory_space<hbm>> -> memref<1x1x8x8x128xf32, #tpu.memory_space<hbm>>
    %dma_wait3A_208 = tpu.memref_squeeze %dma_wait3A_207 : memref<1x1x8x8x128xf32, #tpu.memory_space<hbm>> -> memref<8x8x128xf32, #tpu.memory_space<hbm>>
    %dma_wait3A_209 = arith.constant 0 : i32
    %dma_wait3A_210 = arith.constant 0 : i32
    %dma_wait3A_211 = arith.constant 0 : i32
    %dma_wait3A_212 = tpu.memref_slice %arg4[%add3A_114, %select_n3A_30, %dma_wait3A_209, %dma_wait3A_210, %dma_wait3A_211] : memref<16x8x8x8x128xf32, #tpu.memory_space<hbm>> -> memref<1x1x8x8x128xf32, #tpu.memory_space<hbm>>
    %dma_wait3A_213 = tpu.memref_squeeze %dma_wait3A_212 : memref<1x1x8x8x128xf32, #tpu.memory_space<hbm>> -> memref<8x8x128xf32, #tpu.memory_space<hbm>>
    %dma_wait3A_214 = arith.constant 0 : i32
    %dma_wait3A_215 = arith.constant 0 : i32
    %dma_wait3A_216 = arith.constant 0 : i32
    %dma_wait3A_217 = tpu.memref_slice %arg7[%dma_wait3A_198, %dma_wait3A_214, %dma_wait3A_215, %dma_wait3A_216] : memref<4x8x8x128xf32, #tpu.memory_space<vmem>> -> memref<1x8x8x128xf32, #tpu.memory_space<vmem>>
    %dma_wait3A_218 = tpu.memref_squeeze %dma_wait3A_217 : memref<1x8x8x128xf32, #tpu.memory_space<vmem>> -> memref<8x8x128xf32, #tpu.memory_space<vmem>>
    tpu.wait_dma2 semaphore(%arg8 : memref<!tpu.dma_semaphore, #tpu.memory_space<semaphore_mem>>) src(%dma_wait3A_218 : memref<8x8x128xf32, #tpu.memory_space<vmem>>) dst(%dma_wait3A_213 : memref<8x8x128xf32, #tpu.memory_space<hbm>>)
    return
  }
}

module attributes {stable_mosaic.version = 14 : i64} {
  func.func @_argmin_body(%arg0: i32, %arg1: memref<8x64x1024xf32, #tpu.memory_space<vmem>>, %arg2: memref<64x1024xf32, #tpu.memory_space<vmem>>, %arg3: memref<64x128xi32, #tpu.memory_space<vmem>>) attributes {dimension_semantics = [#tpu.dimension_semantics<arbitrary>], iteration_bounds = array<i64: 2>, scalar_prefetch = 0 : i64, scratch_operands = 0 : i64, tpu.core_type = #tpu.core_type<tc>, window_params = [{transform_indices = @transform_0, window_bounds = array<i64: 8, 64, 1024>}, {pipeline_mode = #tpu.pipeline_mode<synchronous>, transform_indices = @transform_1, window_bounds = array<i64: 64, 1024>}, {transform_indices = @transform_2, window_bounds = array<i64: 64, 128>}]} {
    %get3A = arith.constant 0 : index
    %get3A_0 = arith.constant 0 : index
    %get3A_1 = vector.load %arg2[%get3A, %get3A_0] : memref<64x1024xf32, #tpu.memory_space<vmem>>, vector<64x1024xf32>
    %mul3A = arith.mulf %get3A_1, %get3A_1 : vector<64x1024xf32>
    %reduce_sum3A = arith.constant dense<0.000000e+00> : vector<1024xf32>
    %reduce_sum3A_2 = vector.multi_reduction <add>, %mul3A, %reduce_sum3A [0] : vector<64x1024xf32> to vector<1024xf32>
    %broadcast_in_dim3A = vector.shape_cast %reduce_sum3A_2 : vector<1024xf32> to vector<1x1024xf32>
    %iota3A = tpu.iota {dimensions = array<i32: 1>} : vector<1x1024xi32>
    %convert_element_type3A = arith.sitofp %iota3A : vector<1x1024xi32> to vector<1x1024xf32>
    %get3A_3 = arith.constant 0 : index
    %get3A_4 = arith.constant 0 : index
    %get3A_5 = arith.constant 0 : index
    %get3A_6 = vector.load %arg1[%get3A_3, %get3A_4, %get3A_5] : memref<8x64x1024xf32, #tpu.memory_space<vmem>>, vector<1x64x1024xf32>
    %get3A_7 = vector.shape_cast %get3A_6 : vector<1x64x1024xf32> to vector<64x1024xf32>
    %dot_general3A = arith.constant dense<0.000000e+00> : vector<1024x1024xf32>
    %dot_general3A_8 = tpu.matmul %get3A_7, %get3A_1, %dot_general3A {dimension_numbers = #tpu.dot_dimension_numbers<[0], [0], [1], [1], [0, 1, 1, 1], [], []>, transpose_lhs_hint = false} : vector<64x1024xf32>, vector<64x1024xf32>, vector<1024x1024xf32> -> vector<1024x1024xf32>
    %mul3A_9 = arith.mulf %get3A_7, %get3A_7 : vector<64x1024xf32>
    %reduce_sum3A_10 = arith.constant dense<0.000000e+00> : vector<1024xf32>
    %reduce_sum3A_11 = vector.multi_reduction <add>, %mul3A_9, %reduce_sum3A_10 [0] : vector<64x1024xf32> to vector<1024xf32>
    %broadcast_in_dim3A_12 = vector.shape_cast %reduce_sum3A_11 : vector<1024xf32> to vector<1x1024xf32>
    %transpose3A = tpu.transpose %broadcast_in_dim3A_12, [1, 0] : vector<1x1024xf32> -> vector<1024x1xf32>
    %add3A = vector.broadcast %transpose3A : vector<1024x1xf32> to vector<1024x1024xf32>
    %add3A_13 = vector.broadcast %broadcast_in_dim3A : vector<1x1024xf32> to vector<1024x1024xf32>
    %add3A_14 = arith.addf %add3A, %add3A_13 : vector<1024x1024xf32>
    %mul3A_15 = arith.constant 2.000000e+00 : f32
    %mul3A_16 = vector.broadcast %mul3A_15 : f32 to vector<1024x1024xf32>
    %mul3A_17 = arith.mulf %mul3A_16, %dot_general3A_8 : vector<1024x1024xf32>
    %sub3A = arith.subf %add3A_14, %mul3A_17 : vector<1024x1024xf32>
    %reduce_min3A = arith.constant dense<0x7F800000> : vector<1024xf32>
    %reduce_min3A_18 = vector.multi_reduction <minimumf>, %sub3A, %reduce_min3A [1] : vector<1024x1024xf32> to vector<1024xf32>
    %broadcast_in_dim3A_19 = vector.shape_cast %reduce_min3A_18 : vector<1024xf32> to vector<1024x1xf32>
    %eq3A = vector.broadcast %broadcast_in_dim3A_19 : vector<1024x1xf32> to vector<1024x1024xf32>
    %eq3A_20 = arith.cmpf oeq, %sub3A, %eq3A : vector<1024x1024xf32>
    %jit3A = arith.constant 1.024000e+03 : f32
    %broadcast_in_dim3A_21 = vector.shape_cast %convert_element_type3A : vector<1x1024xf32> to vector<1x1024xf32>
    %broadcast_in_dim3A_22 = vector.broadcast %broadcast_in_dim3A_21 : vector<1x1024xf32> to vector<1024x1024xf32>
    %broadcast_in_dim3A_23 = vector.broadcast %jit3A : f32 to vector<1024x1024xf32>
    %select_n3A = arith.select %eq3A_20, %broadcast_in_dim3A_22, %broadcast_in_dim3A_23 : vector<1024x1024xi1>, vector<1024x1024xf32>
    %reduce_min3A_24 = arith.constant dense<0x7F800000> : vector<1024xf32>
    %reduce_min3A_25 = vector.multi_reduction <minimumf>, %select_n3A, %reduce_min3A_24 [1] : vector<1024x1024xf32> to vector<1024xf32>
    %convert_element_type3A_26 = arith.fptosi %reduce_min3A_25 : vector<1024xf32> to vector<1024xi32>
    %reshape3A = vector.shape_cast %convert_element_type3A_26 : vector<1024xi32> to vector<8x128xi32>
    %swap3A = arith.constant 0 : index
    %swap3A_27 = arith.constant 0 : index
    %swap3A_28 = vector.load %arg3[%swap3A, %swap3A_27] : memref<64x128xi32, #tpu.memory_space<vmem>>, vector<8x128xi32>
    tpu.vector_store %arg3[%swap3A, %swap3A_27], %reshape3A {strides = array<i32>} : memref<64x128xi32, #tpu.memory_space<vmem>>, vector<8x128xi32>,
    %get3A_29 = arith.constant 1 : index
    %get3A_30 = arith.constant 0 : index
    %get3A_31 = arith.constant 0 : index
    %get3A_32 = vector.load %arg1[%get3A_29, %get3A_30, %get3A_31] : memref<8x64x1024xf32, #tpu.memory_space<vmem>>, vector<1x64x1024xf32>
    %get3A_33 = vector.shape_cast %get3A_32 : vector<1x64x1024xf32> to vector<64x1024xf32>
    %dot_general3A_34 = arith.constant dense<0.000000e+00> : vector<1024x1024xf32>
    %dot_general3A_35 = tpu.matmul %get3A_33, %get3A_1, %dot_general3A_34 {dimension_numbers = #tpu.dot_dimension_numbers<[0], [0], [1], [1], [0, 1, 1, 1], [], []>, transpose_lhs_hint = false} : vector<64x1024xf32>, vector<64x1024xf32>, vector<1024x1024xf32> -> vector<1024x1024xf32>
    %mul3A_36 = arith.mulf %get3A_33, %get3A_33 : vector<64x1024xf32>
    %reduce_sum3A_37 = arith.constant dense<0.000000e+00> : vector<1024xf32>
    %reduce_sum3A_38 = vector.multi_reduction <add>, %mul3A_36, %reduce_sum3A_37 [0] : vector<64x1024xf32> to vector<1024xf32>
    %broadcast_in_dim3A_39 = vector.shape_cast %reduce_sum3A_38 : vector<1024xf32> to vector<1x1024xf32>
    %transpose3A_40 = tpu.transpose %broadcast_in_dim3A_39, [1, 0] : vector<1x1024xf32> -> vector<1024x1xf32>
    %add3A_41 = vector.broadcast %transpose3A_40 : vector<1024x1xf32> to vector<1024x1024xf32>
    %add3A_42 = vector.broadcast %broadcast_in_dim3A : vector<1x1024xf32> to vector<1024x1024xf32>
    %add3A_43 = arith.addf %add3A_41, %add3A_42 : vector<1024x1024xf32>
    %mul3A_44 = arith.constant 2.000000e+00 : f32
    %mul3A_45 = vector.broadcast %mul3A_44 : f32 to vector<1024x1024xf32>
    %mul3A_46 = arith.mulf %mul3A_45, %dot_general3A_35 : vector<1024x1024xf32>
    %sub3A_47 = arith.subf %add3A_43, %mul3A_46 : vector<1024x1024xf32>
    %reduce_min3A_48 = arith.constant dense<0x7F800000> : vector<1024xf32>
    %reduce_min3A_49 = vector.multi_reduction <minimumf>, %sub3A_47, %reduce_min3A_48 [1] : vector<1024x1024xf32> to vector<1024xf32>
    %broadcast_in_dim3A_50 = vector.shape_cast %reduce_min3A_49 : vector<1024xf32> to vector<1024x1xf32>
    %eq3A_51 = vector.broadcast %broadcast_in_dim3A_50 : vector<1024x1xf32> to vector<1024x1024xf32>
    %eq3A_52 = arith.cmpf oeq, %sub3A_47, %eq3A_51 : vector<1024x1024xf32>
    %jit3A_53 = arith.constant 1.024000e+03 : f32
    %broadcast_in_dim3A_54 = vector.shape_cast %convert_element_type3A : vector<1x1024xf32> to vector<1x1024xf32>
    %broadcast_in_dim3A_55 = vector.broadcast %broadcast_in_dim3A_54 : vector<1x1024xf32> to vector<1024x1024xf32>
    %broadcast_in_dim3A_56 = vector.broadcast %jit3A_53 : f32 to vector<1024x1024xf32>
    %select_n3A_57 = arith.select %eq3A_52, %broadcast_in_dim3A_55, %broadcast_in_dim3A_56 : vector<1024x1024xi1>, vector<1024x1024xf32>
    %reduce_min3A_58 = arith.constant dense<0x7F800000> : vector<1024xf32>
    %reduce_min3A_59 = vector.multi_reduction <minimumf>, %select_n3A_57, %reduce_min3A_58 [1] : vector<1024x1024xf32> to vector<1024xf32>
    %convert_element_type3A_60 = arith.fptosi %reduce_min3A_59 : vector<1024xf32> to vector<1024xi32>
    %reshape3A_61 = vector.shape_cast %convert_element_type3A_60 : vector<1024xi32> to vector<8x128xi32>
    %swap3A_62 = arith.constant 8 : index
    %swap3A_63 = arith.constant 0 : index
    %swap3A_64 = vector.load %arg3[%swap3A_62, %swap3A_63] : memref<64x128xi32, #tpu.memory_space<vmem>>, vector<8x128xi32>
    tpu.vector_store %arg3[%swap3A_62, %swap3A_63], %reshape3A_61 {strides = array<i32>} : memref<64x128xi32, #tpu.memory_space<vmem>>, vector<8x128xi32>,
    %get3A_65 = arith.constant 2 : index
    %get3A_66 = arith.constant 0 : index
    %get3A_67 = arith.constant 0 : index
    %get3A_68 = vector.load %arg1[%get3A_65, %get3A_66, %get3A_67] : memref<8x64x1024xf32, #tpu.memory_space<vmem>>, vector<1x64x1024xf32>
    %get3A_69 = vector.shape_cast %get3A_68 : vector<1x64x1024xf32> to vector<64x1024xf32>
    %dot_general3A_70 = arith.constant dense<0.000000e+00> : vector<1024x1024xf32>
    %dot_general3A_71 = tpu.matmul %get3A_69, %get3A_1, %dot_general3A_70 {dimension_numbers = #tpu.dot_dimension_numbers<[0], [0], [1], [1], [0, 1, 1, 1], [], []>, transpose_lhs_hint = false} : vector<64x1024xf32>, vector<64x1024xf32>, vector<1024x1024xf32> -> vector<1024x1024xf32>
    %mul3A_72 = arith.mulf %get3A_69, %get3A_69 : vector<64x1024xf32>
    %reduce_sum3A_73 = arith.constant dense<0.000000e+00> : vector<1024xf32>
    %reduce_sum3A_74 = vector.multi_reduction <add>, %mul3A_72, %reduce_sum3A_73 [0] : vector<64x1024xf32> to vector<1024xf32>
    %broadcast_in_dim3A_75 = vector.shape_cast %reduce_sum3A_74 : vector<1024xf32> to vector<1x1024xf32>
    %transpose3A_76 = tpu.transpose %broadcast_in_dim3A_75, [1, 0] : vector<1x1024xf32> -> vector<1024x1xf32>
    %add3A_77 = vector.broadcast %transpose3A_76 : vector<1024x1xf32> to vector<1024x1024xf32>
    %add3A_78 = vector.broadcast %broadcast_in_dim3A : vector<1x1024xf32> to vector<1024x1024xf32>
    %add3A_79 = arith.addf %add3A_77, %add3A_78 : vector<1024x1024xf32>
    %mul3A_80 = arith.constant 2.000000e+00 : f32
    %mul3A_81 = vector.broadcast %mul3A_80 : f32 to vector<1024x1024xf32>
    %mul3A_82 = arith.mulf %mul3A_81, %dot_general3A_71 : vector<1024x1024xf32>
    %sub3A_83 = arith.subf %add3A_79, %mul3A_82 : vector<1024x1024xf32>
    %reduce_min3A_84 = arith.constant dense<0x7F800000> : vector<1024xf32>
    %reduce_min3A_85 = vector.multi_reduction <minimumf>, %sub3A_83, %reduce_min3A_84 [1] : vector<1024x1024xf32> to vector<1024xf32>
    %broadcast_in_dim3A_86 = vector.shape_cast %reduce_min3A_85 : vector<1024xf32> to vector<1024x1xf32>
    %eq3A_87 = vector.broadcast %broadcast_in_dim3A_86 : vector<1024x1xf32> to vector<1024x1024xf32>
    %eq3A_88 = arith.cmpf oeq, %sub3A_83, %eq3A_87 : vector<1024x1024xf32>
    %jit3A_89 = arith.constant 1.024000e+03 : f32
    %broadcast_in_dim3A_90 = vector.shape_cast %convert_element_type3A : vector<1x1024xf32> to vector<1x1024xf32>
    %broadcast_in_dim3A_91 = vector.broadcast %broadcast_in_dim3A_90 : vector<1x1024xf32> to vector<1024x1024xf32>
    %broadcast_in_dim3A_92 = vector.broadcast %jit3A_89 : f32 to vector<1024x1024xf32>
    %select_n3A_93 = arith.select %eq3A_88, %broadcast_in_dim3A_91, %broadcast_in_dim3A_92 : vector<1024x1024xi1>, vector<1024x1024xf32>
    %reduce_min3A_94 = arith.constant dense<0x7F800000> : vector<1024xf32>
    %reduce_min3A_95 = vector.multi_reduction <minimumf>, %select_n3A_93, %reduce_min3A_94 [1] : vector<1024x1024xf32> to vector<1024xf32>
    %convert_element_type3A_96 = arith.fptosi %reduce_min3A_95 : vector<1024xf32> to vector<1024xi32>
    %reshape3A_97 = vector.shape_cast %convert_element_type3A_96 : vector<1024xi32> to vector<8x128xi32>
    %swap3A_98 = arith.constant 16 : index
    %swap3A_99 = arith.constant 0 : index
    %swap3A_100 = vector.load %arg3[%swap3A_98, %swap3A_99] : memref<64x128xi32, #tpu.memory_space<vmem>>, vector<8x128xi32>
    tpu.vector_store %arg3[%swap3A_98, %swap3A_99], %reshape3A_97 {strides = array<i32>} : memref<64x128xi32, #tpu.memory_space<vmem>>, vector<8x128xi32>,
    %get3A_101 = arith.constant 3 : index
    %get3A_102 = arith.constant 0 : index
    %get3A_103 = arith.constant 0 : index
    %get3A_104 = vector.load %arg1[%get3A_101, %get3A_102, %get3A_103] : memref<8x64x1024xf32, #tpu.memory_space<vmem>>, vector<1x64x1024xf32>
    %get3A_105 = vector.shape_cast %get3A_104 : vector<1x64x1024xf32> to vector<64x1024xf32>
    %dot_general3A_106 = arith.constant dense<0.000000e+00> : vector<1024x1024xf32>
    %dot_general3A_107 = tpu.matmul %get3A_105, %get3A_1, %dot_general3A_106 {dimension_numbers = #tpu.dot_dimension_numbers<[0], [0], [1], [1], [0, 1, 1, 1], [], []>, transpose_lhs_hint = false} : vector<64x1024xf32>, vector<64x1024xf32>, vector<1024x1024xf32> -> vector<1024x1024xf32>
    %mul3A_108 = arith.mulf %get3A_105, %get3A_105 : vector<64x1024xf32>
    %reduce_sum3A_109 = arith.constant dense<0.000000e+00> : vector<1024xf32>
    %reduce_sum3A_110 = vector.multi_reduction <add>, %mul3A_108, %reduce_sum3A_109 [0] : vector<64x1024xf32> to vector<1024xf32>
    %broadcast_in_dim3A_111 = vector.shape_cast %reduce_sum3A_110 : vector<1024xf32> to vector<1x1024xf32>
    %transpose3A_112 = tpu.transpose %broadcast_in_dim3A_111, [1, 0] : vector<1x1024xf32> -> vector<1024x1xf32>
    %add3A_113 = vector.broadcast %transpose3A_112 : vector<1024x1xf32> to vector<1024x1024xf32>
    %add3A_114 = vector.broadcast %broadcast_in_dim3A : vector<1x1024xf32> to vector<1024x1024xf32>
    %add3A_115 = arith.addf %add3A_113, %add3A_114 : vector<1024x1024xf32>
    %mul3A_116 = arith.constant 2.000000e+00 : f32
    %mul3A_117 = vector.broadcast %mul3A_116 : f32 to vector<1024x1024xf32>
    %mul3A_118 = arith.mulf %mul3A_117, %dot_general3A_107 : vector<1024x1024xf32>
    %sub3A_119 = arith.subf %add3A_115, %mul3A_118 : vector<1024x1024xf32>
    %reduce_min3A_120 = arith.constant dense<0x7F800000> : vector<1024xf32>
    %reduce_min3A_121 = vector.multi_reduction <minimumf>, %sub3A_119, %reduce_min3A_120 [1] : vector<1024x1024xf32> to vector<1024xf32>
    %broadcast_in_dim3A_122 = vector.shape_cast %reduce_min3A_121 : vector<1024xf32> to vector<1024x1xf32>
    %eq3A_123 = vector.broadcast %broadcast_in_dim3A_122 : vector<1024x1xf32> to vector<1024x1024xf32>
    %eq3A_124 = arith.cmpf oeq, %sub3A_119, %eq3A_123 : vector<1024x1024xf32>
    %jit3A_125 = arith.constant 1.024000e+03 : f32
    %broadcast_in_dim3A_126 = vector.shape_cast %convert_element_type3A : vector<1x1024xf32> to vector<1x1024xf32>
    %broadcast_in_dim3A_127 = vector.broadcast %broadcast_in_dim3A_126 : vector<1x1024xf32> to vector<1024x1024xf32>
    %broadcast_in_dim3A_128 = vector.broadcast %jit3A_125 : f32 to vector<1024x1024xf32>
    %select_n3A_129 = arith.select %eq3A_124, %broadcast_in_dim3A_127, %broadcast_in_dim3A_128 : vector<1024x1024xi1>, vector<1024x1024xf32>
    %reduce_min3A_130 = arith.constant dense<0x7F800000> : vector<1024xf32>
    %reduce_min3A_131 = vector.multi_reduction <minimumf>, %select_n3A_129, %reduce_min3A_130 [1] : vector<1024x1024xf32> to vector<1024xf32>
    %convert_element_type3A_132 = arith.fptosi %reduce_min3A_131 : vector<1024xf32> to vector<1024xi32>
    %reshape3A_133 = vector.shape_cast %convert_element_type3A_132 : vector<1024xi32> to vector<8x128xi32>
    %swap3A_134 = arith.constant 24 : index
    %swap3A_135 = arith.constant 0 : index
    %swap3A_136 = vector.load %arg3[%swap3A_134, %swap3A_135] : memref<64x128xi32, #tpu.memory_space<vmem>>, vector<8x128xi32>
    tpu.vector_store %arg3[%swap3A_134, %swap3A_135], %reshape3A_133 {strides = array<i32>} : memref<64x128xi32, #tpu.memory_space<vmem>>, vector<8x128xi32>,
    %get3A_137 = arith.constant 4 : index
    %get3A_138 = arith.constant 0 : index
    %get3A_139 = arith.constant 0 : index
    %get3A_140 = vector.load %arg1[%get3A_137, %get3A_138, %get3A_139] : memref<8x64x1024xf32, #tpu.memory_space<vmem>>, vector<1x64x1024xf32>
    %get3A_141 = vector.shape_cast %get3A_140 : vector<1x64x1024xf32> to vector<64x1024xf32>
    %dot_general3A_142 = arith.constant dense<0.000000e+00> : vector<1024x1024xf32>
    %dot_general3A_143 = tpu.matmul %get3A_141, %get3A_1, %dot_general3A_142 {dimension_numbers = #tpu.dot_dimension_numbers<[0], [0], [1], [1], [0, 1, 1, 1], [], []>, transpose_lhs_hint = false} : vector<64x1024xf32>, vector<64x1024xf32>, vector<1024x1024xf32> -> vector<1024x1024xf32>
    %mul3A_144 = arith.mulf %get3A_141, %get3A_141 : vector<64x1024xf32>
    %reduce_sum3A_145 = arith.constant dense<0.000000e+00> : vector<1024xf32>
    %reduce_sum3A_146 = vector.multi_reduction <add>, %mul3A_144, %reduce_sum3A_145 [0] : vector<64x1024xf32> to vector<1024xf32>
    %broadcast_in_dim3A_147 = vector.shape_cast %reduce_sum3A_146 : vector<1024xf32> to vector<1x1024xf32>
    %transpose3A_148 = tpu.transpose %broadcast_in_dim3A_147, [1, 0] : vector<1x1024xf32> -> vector<1024x1xf32>
    %add3A_149 = vector.broadcast %transpose3A_148 : vector<1024x1xf32> to vector<1024x1024xf32>
    %add3A_150 = vector.broadcast %broadcast_in_dim3A : vector<1x1024xf32> to vector<1024x1024xf32>
    %add3A_151 = arith.addf %add3A_149, %add3A_150 : vector<1024x1024xf32>
    %mul3A_152 = arith.constant 2.000000e+00 : f32
    %mul3A_153 = vector.broadcast %mul3A_152 : f32 to vector<1024x1024xf32>
    %mul3A_154 = arith.mulf %mul3A_153, %dot_general3A_143 : vector<1024x1024xf32>
    %sub3A_155 = arith.subf %add3A_151, %mul3A_154 : vector<1024x1024xf32>
    %reduce_min3A_156 = arith.constant dense<0x7F800000> : vector<1024xf32>
    %reduce_min3A_157 = vector.multi_reduction <minimumf>, %sub3A_155, %reduce_min3A_156 [1] : vector<1024x1024xf32> to vector<1024xf32>
    %broadcast_in_dim3A_158 = vector.shape_cast %reduce_min3A_157 : vector<1024xf32> to vector<1024x1xf32>
    %eq3A_159 = vector.broadcast %broadcast_in_dim3A_158 : vector<1024x1xf32> to vector<1024x1024xf32>
    %eq3A_160 = arith.cmpf oeq, %sub3A_155, %eq3A_159 : vector<1024x1024xf32>
    %jit3A_161 = arith.constant 1.024000e+03 : f32
    %broadcast_in_dim3A_162 = vector.shape_cast %convert_element_type3A : vector<1x1024xf32> to vector<1x1024xf32>
    %broadcast_in_dim3A_163 = vector.broadcast %broadcast_in_dim3A_162 : vector<1x1024xf32> to vector<1024x1024xf32>
    %broadcast_in_dim3A_164 = vector.broadcast %jit3A_161 : f32 to vector<1024x1024xf32>
    %select_n3A_165 = arith.select %eq3A_160, %broadcast_in_dim3A_163, %broadcast_in_dim3A_164 : vector<1024x1024xi1>, vector<1024x1024xf32>
    %reduce_min3A_166 = arith.constant dense<0x7F800000> : vector<1024xf32>
    %reduce_min3A_167 = vector.multi_reduction <minimumf>, %select_n3A_165, %reduce_min3A_166 [1] : vector<1024x1024xf32> to vector<1024xf32>
    %convert_element_type3A_168 = arith.fptosi %reduce_min3A_167 : vector<1024xf32> to vector<1024xi32>
    %reshape3A_169 = vector.shape_cast %convert_element_type3A_168 : vector<1024xi32> to vector<8x128xi32>
    %swap3A_170 = arith.constant 32 : index
    %swap3A_171 = arith.constant 0 : index
    %swap3A_172 = vector.load %arg3[%swap3A_170, %swap3A_171] : memref<64x128xi32, #tpu.memory_space<vmem>>, vector<8x128xi32>
    tpu.vector_store %arg3[%swap3A_170, %swap3A_171], %reshape3A_169 {strides = array<i32>} : memref<64x128xi32, #tpu.memory_space<vmem>>, vector<8x128xi32>,
    %get3A_173 = arith.constant 5 : index
    %get3A_174 = arith.constant 0 : index
    %get3A_175 = arith.constant 0 : index
    %get3A_176 = vector.load %arg1[%get3A_173, %get3A_174, %get3A_175] : memref<8x64x1024xf32, #tpu.memory_space<vmem>>, vector<1x64x1024xf32>
    %get3A_177 = vector.shape_cast %get3A_176 : vector<1x64x1024xf32> to vector<64x1024xf32>
    %dot_general3A_178 = arith.constant dense<0.000000e+00> : vector<1024x1024xf32>
    %dot_general3A_179 = tpu.matmul %get3A_177, %get3A_1, %dot_general3A_178 {dimension_numbers = #tpu.dot_dimension_numbers<[0], [0], [1], [1], [0, 1, 1, 1], [], []>, transpose_lhs_hint = false} : vector<64x1024xf32>, vector<64x1024xf32>, vector<1024x1024xf32> -> vector<1024x1024xf32>
    %mul3A_180 = arith.mulf %get3A_177, %get3A_177 : vector<64x1024xf32>
    %reduce_sum3A_181 = arith.constant dense<0.000000e+00> : vector<1024xf32>
    %reduce_sum3A_182 = vector.multi_reduction <add>, %mul3A_180, %reduce_sum3A_181 [0] : vector<64x1024xf32> to vector<1024xf32>
    %broadcast_in_dim3A_183 = vector.shape_cast %reduce_sum3A_182 : vector<1024xf32> to vector<1x1024xf32>
    %transpose3A_184 = tpu.transpose %broadcast_in_dim3A_183, [1, 0] : vector<1x1024xf32> -> vector<1024x1xf32>
    %add3A_185 = vector.broadcast %transpose3A_184 : vector<1024x1xf32> to vector<1024x1024xf32>
    %add3A_186 = vector.broadcast %broadcast_in_dim3A : vector<1x1024xf32> to vector<1024x1024xf32>
    %add3A_187 = arith.addf %add3A_185, %add3A_186 : vector<1024x1024xf32>
    %mul3A_188 = arith.constant 2.000000e+00 : f32
    %mul3A_189 = vector.broadcast %mul3A_188 : f32 to vector<1024x1024xf32>
    %mul3A_190 = arith.mulf %mul3A_189, %dot_general3A_179 : vector<1024x1024xf32>
    %sub3A_191 = arith.subf %add3A_187, %mul3A_190 : vector<1024x1024xf32>
    %reduce_min3A_192 = arith.constant dense<0x7F800000> : vector<1024xf32>
    %reduce_min3A_193 = vector.multi_reduction <minimumf>, %sub3A_191, %reduce_min3A_192 [1] : vector<1024x1024xf32> to vector<1024xf32>
    %broadcast_in_dim3A_194 = vector.shape_cast %reduce_min3A_193 : vector<1024xf32> to vector<1024x1xf32>
    %eq3A_195 = vector.broadcast %broadcast_in_dim3A_194 : vector<1024x1xf32> to vector<1024x1024xf32>
    %eq3A_196 = arith.cmpf oeq, %sub3A_191, %eq3A_195 : vector<1024x1024xf32>
    %jit3A_197 = arith.constant 1.024000e+03 : f32
    %broadcast_in_dim3A_198 = vector.shape_cast %convert_element_type3A : vector<1x1024xf32> to vector<1x1024xf32>
    %broadcast_in_dim3A_199 = vector.broadcast %broadcast_in_dim3A_198 : vector<1x1024xf32> to vector<1024x1024xf32>
    %broadcast_in_dim3A_200 = vector.broadcast %jit3A_197 : f32 to vector<1024x1024xf32>
    %select_n3A_201 = arith.select %eq3A_196, %broadcast_in_dim3A_199, %broadcast_in_dim3A_200 : vector<1024x1024xi1>, vector<1024x1024xf32>
    %reduce_min3A_202 = arith.constant dense<0x7F800000> : vector<1024xf32>
    %reduce_min3A_203 = vector.multi_reduction <minimumf>, %select_n3A_201, %reduce_min3A_202 [1] : vector<1024x1024xf32> to vector<1024xf32>
    %convert_element_type3A_204 = arith.fptosi %reduce_min3A_203 : vector<1024xf32> to vector<1024xi32>
    %reshape3A_205 = vector.shape_cast %convert_element_type3A_204 : vector<1024xi32> to vector<8x128xi32>
    %swap3A_206 = arith.constant 40 : index
    %swap3A_207 = arith.constant 0 : index
    %swap3A_208 = vector.load %arg3[%swap3A_206, %swap3A_207] : memref<64x128xi32, #tpu.memory_space<vmem>>, vector<8x128xi32>
    tpu.vector_store %arg3[%swap3A_206, %swap3A_207], %reshape3A_205 {strides = array<i32>} : memref<64x128xi32, #tpu.memory_space<vmem>>, vector<8x128xi32>,
    %get3A_209 = arith.constant 6 : index
    %get3A_210 = arith.constant 0 : index
    %get3A_211 = arith.constant 0 : index
    %get3A_212 = vector.load %arg1[%get3A_209, %get3A_210, %get3A_211] : memref<8x64x1024xf32, #tpu.memory_space<vmem>>, vector<1x64x1024xf32>
    %get3A_213 = vector.shape_cast %get3A_212 : vector<1x64x1024xf32> to vector<64x1024xf32>
    %dot_general3A_214 = arith.constant dense<0.000000e+00> : vector<1024x1024xf32>
    %dot_general3A_215 = tpu.matmul %get3A_213, %get3A_1, %dot_general3A_214 {dimension_numbers = #tpu.dot_dimension_numbers<[0], [0], [1], [1], [0, 1, 1, 1], [], []>, transpose_lhs_hint = false} : vector<64x1024xf32>, vector<64x1024xf32>, vector<1024x1024xf32> -> vector<1024x1024xf32>
    %mul3A_216 = arith.mulf %get3A_213, %get3A_213 : vector<64x1024xf32>
    %reduce_sum3A_217 = arith.constant dense<0.000000e+00> : vector<1024xf32>
    %reduce_sum3A_218 = vector.multi_reduction <add>, %mul3A_216, %reduce_sum3A_217 [0] : vector<64x1024xf32> to vector<1024xf32>
    %broadcast_in_dim3A_219 = vector.shape_cast %reduce_sum3A_218 : vector<1024xf32> to vector<1x1024xf32>
    %transpose3A_220 = tpu.transpose %broadcast_in_dim3A_219, [1, 0] : vector<1x1024xf32> -> vector<1024x1xf32>
    %add3A_221 = vector.broadcast %transpose3A_220 : vector<1024x1xf32> to vector<1024x1024xf32>
    %add3A_222 = vector.broadcast %broadcast_in_dim3A : vector<1x1024xf32> to vector<1024x1024xf32>
    %add3A_223 = arith.addf %add3A_221, %add3A_222 : vector<1024x1024xf32>
    %mul3A_224 = arith.constant 2.000000e+00 : f32
    %mul3A_225 = vector.broadcast %mul3A_224 : f32 to vector<1024x1024xf32>
    %mul3A_226 = arith.mulf %mul3A_225, %dot_general3A_215 : vector<1024x1024xf32>
    %sub3A_227 = arith.subf %add3A_223, %mul3A_226 : vector<1024x1024xf32>
    %reduce_min3A_228 = arith.constant dense<0x7F800000> : vector<1024xf32>
    %reduce_min3A_229 = vector.multi_reduction <minimumf>, %sub3A_227, %reduce_min3A_228 [1] : vector<1024x1024xf32> to vector<1024xf32>
    %broadcast_in_dim3A_230 = vector.shape_cast %reduce_min3A_229 : vector<1024xf32> to vector<1024x1xf32>
    %eq3A_231 = vector.broadcast %broadcast_in_dim3A_230 : vector<1024x1xf32> to vector<1024x1024xf32>
    %eq3A_232 = arith.cmpf oeq, %sub3A_227, %eq3A_231 : vector<1024x1024xf32>
    %jit3A_233 = arith.constant 1.024000e+03 : f32
    %broadcast_in_dim3A_234 = vector.shape_cast %convert_element_type3A : vector<1x1024xf32> to vector<1x1024xf32>
    %broadcast_in_dim3A_235 = vector.broadcast %broadcast_in_dim3A_234 : vector<1x1024xf32> to vector<1024x1024xf32>
    %broadcast_in_dim3A_236 = vector.broadcast %jit3A_233 : f32 to vector<1024x1024xf32>
    %select_n3A_237 = arith.select %eq3A_232, %broadcast_in_dim3A_235, %broadcast_in_dim3A_236 : vector<1024x1024xi1>, vector<1024x1024xf32>
    %reduce_min3A_238 = arith.constant dense<0x7F800000> : vector<1024xf32>
    %reduce_min3A_239 = vector.multi_reduction <minimumf>, %select_n3A_237, %reduce_min3A_238 [1] : vector<1024x1024xf32> to vector<1024xf32>
    %convert_element_type3A_240 = arith.fptosi %reduce_min3A_239 : vector<1024xf32> to vector<1024xi32>
    %reshape3A_241 = vector.shape_cast %convert_element_type3A_240 : vector<1024xi32> to vector<8x128xi32>
    %swap3A_242 = arith.constant 48 : index
    %swap3A_243 = arith.constant 0 : index
    %swap3A_244 = vector.load %arg3[%swap3A_242, %swap3A_243] : memref<64x128xi32, #tpu.memory_space<vmem>>, vector<8x128xi32>
    tpu.vector_store %arg3[%swap3A_242, %swap3A_243], %reshape3A_241 {strides = array<i32>} : memref<64x128xi32, #tpu.memory_space<vmem>>, vector<8x128xi32>,
    %get3A_245 = arith.constant 7 : index
    %get3A_246 = arith.constant 0 : index
    %get3A_247 = arith.constant 0 : index
    %get3A_248 = vector.load %arg1[%get3A_245, %get3A_246, %get3A_247] : memref<8x64x1024xf32, #tpu.memory_space<vmem>>, vector<1x64x1024xf32>
    %get3A_249 = vector.shape_cast %get3A_248 : vector<1x64x1024xf32> to vector<64x1024xf32>
    %dot_general3A_250 = arith.constant dense<0.000000e+00> : vector<1024x1024xf32>
    %dot_general3A_251 = tpu.matmul %get3A_249, %get3A_1, %dot_general3A_250 {dimension_numbers = #tpu.dot_dimension_numbers<[0], [0], [1], [1], [0, 1, 1, 1], [], []>, transpose_lhs_hint = false} : vector<64x1024xf32>, vector<64x1024xf32>, vector<1024x1024xf32> -> vector<1024x1024xf32>
    %mul3A_252 = arith.mulf %get3A_249, %get3A_249 : vector<64x1024xf32>
    %reduce_sum3A_253 = arith.constant dense<0.000000e+00> : vector<1024xf32>
    %reduce_sum3A_254 = vector.multi_reduction <add>, %mul3A_252, %reduce_sum3A_253 [0] : vector<64x1024xf32> to vector<1024xf32>
    %broadcast_in_dim3A_255 = vector.shape_cast %reduce_sum3A_254 : vector<1024xf32> to vector<1x1024xf32>
    %transpose3A_256 = tpu.transpose %broadcast_in_dim3A_255, [1, 0] : vector<1x1024xf32> -> vector<1024x1xf32>
    %add3A_257 = vector.broadcast %transpose3A_256 : vector<1024x1xf32> to vector<1024x1024xf32>
    %add3A_258 = vector.broadcast %broadcast_in_dim3A : vector<1x1024xf32> to vector<1024x1024xf32>
    %add3A_259 = arith.addf %add3A_257, %add3A_258 : vector<1024x1024xf32>
    %mul3A_260 = arith.constant 2.000000e+00 : f32
    %mul3A_261 = vector.broadcast %mul3A_260 : f32 to vector<1024x1024xf32>
    %mul3A_262 = arith.mulf %mul3A_261, %dot_general3A_251 : vector<1024x1024xf32>
    %sub3A_263 = arith.subf %add3A_259, %mul3A_262 : vector<1024x1024xf32>
    %reduce_min3A_264 = arith.constant dense<0x7F800000> : vector<1024xf32>
    %reduce_min3A_265 = vector.multi_reduction <minimumf>, %sub3A_263, %reduce_min3A_264 [1] : vector<1024x1024xf32> to vector<1024xf32>
    %broadcast_in_dim3A_266 = vector.shape_cast %reduce_min3A_265 : vector<1024xf32> to vector<1024x1xf32>
    %eq3A_267 = vector.broadcast %broadcast_in_dim3A_266 : vector<1024x1xf32> to vector<1024x1024xf32>
    %eq3A_268 = arith.cmpf oeq, %sub3A_263, %eq3A_267 : vector<1024x1024xf32>
    %jit3A_269 = arith.constant 1.024000e+03 : f32
    %broadcast_in_dim3A_270 = vector.shape_cast %convert_element_type3A : vector<1x1024xf32> to vector<1x1024xf32>
    %broadcast_in_dim3A_271 = vector.broadcast %broadcast_in_dim3A_270 : vector<1x1024xf32> to vector<1024x1024xf32>
    %broadcast_in_dim3A_272 = vector.broadcast %jit3A_269 : f32 to vector<1024x1024xf32>
    %select_n3A_273 = arith.select %eq3A_268, %broadcast_in_dim3A_271, %broadcast_in_dim3A_272 : vector<1024x1024xi1>, vector<1024x1024xf32>
    %reduce_min3A_274 = arith.constant dense<0x7F800000> : vector<1024xf32>
    %reduce_min3A_275 = vector.multi_reduction <minimumf>, %select_n3A_273, %reduce_min3A_274 [1] : vector<1024x1024xf32> to vector<1024xf32>
    %convert_element_type3A_276 = arith.fptosi %reduce_min3A_275 : vector<1024xf32> to vector<1024xi32>
    %reshape3A_277 = vector.shape_cast %convert_element_type3A_276 : vector<1024xi32> to vector<8x128xi32>
    %swap3A_278 = arith.constant 56 : index
    %swap3A_279 = arith.constant 0 : index
    %swap3A_280 = vector.load %arg3[%swap3A_278, %swap3A_279] : memref<64x128xi32, #tpu.memory_space<vmem>>, vector<8x128xi32>
    tpu.vector_store %arg3[%swap3A_278, %swap3A_279], %reshape3A_277 {strides = array<i32>} : memref<64x128xi32, #tpu.memory_space<vmem>>, vector<8x128xi32>,
    return
  }
  func.func @transform_0(%arg0: i32) -> (i32, i32, i32) {
    %c0_i32 = arith.constant 0 : i32
    %c0_i32_0 = arith.constant 0 : i32
    %c0_i32_1 = arith.constant 0 : i32
    return %arg0, %c0_i32, %c0_i32_0 : i32, i32, i32
  }
  func.func @transform_1(%arg0: i32) -> (i32, i32) {
    %c0_i32 = arith.constant 0 : i32
    %c0_i32_0 = arith.constant 0 : i32
    %c0_i32_1 = arith.constant 0 : i32
    return %c0_i32, %c0_i32_0 : i32, i32
  }
  func.func @transform_2(%arg0: i32) -> (i32, i32) {
    %c0_i32 = arith.constant 0 : i32
    %c0_i32_0 = arith.constant 0 : i32
    return %arg0, %c0_i32 : i32, i32
  }
}

</mosaic_0001>

<sc_bundles>
// kernel: kernel.4.cloned.1.call-start
scs
__scs_entry_jumppad:
0x0: {  	(pc) =	sbr.rel $0x88, $3  }
0x1: {  	(tag) =	ssettag $0x0;
	lr =	simm.s32 $0x1  }
0x2: {  	[smem:$0x3F9F] =	sst lr;
	_ =	strace $0xD0000000  }
0x3: {  	_ = 	snop  }
0x4: {  	_ = 	snop  }
0x5: {  	_ = 	snop  }
0x6: {  	_ = 	snop  }
0x7: {  	_ = 	snop  }
__scs_overlays_trampoline_lowered:
0x8: {  	[smem:$0x3FAE] =	sst s0  }
0x9: {  	[smem:$0x3FAF] =	sst s1  }
0xa: {  	[smem:$0x3FB0] =	sst s2  }
0xb: {  	[smem:$0x3FB1] =	sst s3  }
0xc: {  	[smem:$0x3FB2] =	sst s4  }
0xd: {  	[smem:$0x3FB3] =	sst s5  }
0xe: {  	[smem:$0x3FB4] =	sst s6  }
0xf: {  	[smem:$0x3FB5] =	sst s7  }
0x10: {  	[smem:$0x3FB6] =	sst s8  }
0x11: {  	[smem:$0x3FB7] =	sst s9;
	s0 =	simm.s32 @!p0 $0x0  }
0x12: {  	s1 =	sld [smem:$0x3F9D];
	s0 =	simm.s32 @p0 $0x1  }
0x13: {  	[smem:$0x3FB8] =	sst s0;
	s0 =	simm.s32 @!p1 $0x0  }
0x14: {  	s2 =	sld [smem:$0x3F9C];
	s0 =	simm.s32 @p1 $0x1  }
0x15: {  	[smem:$0x3FB9] =	sst s0;
	s0 =	simm.s32 @!p2 $0x0  }
0x16: {  	s3 =	sld [smem:$0x3FDB];
	s0 =	simm.s32 @p2 $0x1  }
0x17: {  	s4 =	simm.s32 $0x1BF5;
	[smem:$0x3FBB] =	sst s0  }
0x18: {  	s0 =	sld [smem:$0x3F9E];
	_ =	swait.ge [sflag:s4], $0x0  }
0x19: {  	s7 =	sld [smem:$0x3F9F]  }
0x1a: {  	s8 =	sadd.s32 $0xFFFFE003, lr  }
0x1b: {  	s9 =	sadd.s32 $0xFFFFFEF7, lr;
	s5 =	simm.s32 $0xFFFFFFFF;
	p2 =	slt.u32 s8, $0xFFFFF086  }
0x1c: {  	p1 =	slt.u32 s9, $0xF7A;
	s5 =	simm.s32 @!p2 $0x0  }
0x1d: {  	s5 =	simm.s32 @p1 $0x1;
	p0 =	seq.s32 s7, s2  }
0x1e: {  	s7 =	smul.u32 @!p0 $0xF7A, s2;
	p2 =	seq.s32 @!p0 s5, $0x0  }
0x1f: {  	s9 =	smul.u32 $0xF7A, s1;
	s8 =	simm.s32 @!p0 $0x1BF5;
	p2 =	por !p2, p0  }
0x20: {  	[sflag:s8] =	ssyncset.s32 @!p0 $0xFFFFF086;
	s6 =	sadd.s32 @!p0 s3, s7;
	s7 =	simm.s32 @!p0 $0x108  }
0x21: {  	s3 =	sadd.s32 s3, s9;
	s6 =	sadd.s32 @!p0 $0x88, s6;
	s7 =	simm.s32 @p2 $0x1082  }
0x22: {  	[simem:s7], [sflag:s8] =	dma.local @!p0 [hbm:s6], $0xF7A  }
0x23: {  	s9 =	sor.u32 $0xD0000000, s2;
	s6 =	simm.s32 $0x108;
	_ =	swait.ge @!p0 [sflag:s8], $0x0  }
0x24: {  	s3 =	sadd.s32 $0x88, s3;
	s6 =	simm.s32 @!p1 $0x1082;
	[sflag:s4] =	ssyncset.s32 $0xFFFFF086  }
0x25: {  	[simem:s6], [sflag:s4] =	dma.local [hbm:s3], $0xF7A  }
0x26: {  	[smem:$0x3F9F] =	sst s1;
	(tag) =	ssettag s2;
	_ =	strace s9  }
0x27: {  	s1 =	sld [smem:$0x3FAF]  }
0x28: {  	s2 =	sld [smem:$0x3FB0]  }
0x29: {  	s4 =	sld [smem:$0x3FB2]  }
0x2a: {  	p0 =	seq.s32 s5, $0x0;
	s5 =	sld [smem:$0x3FB3]  }
0x2b: {  	s6 =	sld [smem:$0x3FB4]  }
0x2c: {  	s7 =	sld [smem:$0x3FB5]  }
0x2d: {  	s3 =	simm.s32 $0x108;
	s8 =	sld [smem:$0x3FB6]  }
0x2e: {  	s3 =	simm.s32 @!p0 $0x1082;
	s9 =	sld [smem:$0x3FB7]  }
0x2f: {  	lr =	sadd.s32 s0, s3;
	s0 =	sld [smem:$0x3FAE]  }
0x30: {  	s3 =	sld [smem:$0x3FB1]  }
0x31: {  	[smem:$0x3FBA] =	sst s10  }
0x32: {  	s10 =	sld [smem:$0x3FB8];
	_ =	sdelay $0x3  }
0x33: {  	p0 =	seq.s32 s10, $0x1;
	s10 =	sld [smem:$0x3FBA];
	_ =	sdelay $0x3  }
0x34: {  	[smem:$0x3FBA] =	sst s10  }
0x35: {  	s10 =	sld [smem:$0x3FB9];
	_ =	sdelay $0x3  }
0x36: {  	p1 =	seq.s32 s10, $0x1;
	s10 =	sld [smem:$0x3FBA];
	_ =	sdelay $0x3  }
0x37: {  	[smem:$0x3FBA] =	sst s10  }
0x38: {  	s10 =	sld [smem:$0x3FBB]  }
0x39: {  	_ = 	snop;
	(pc) =	sbr.ind lr, $3  }
0x3a: {  	_ = 	snop  }
0x3b: {  	_ = 	snop  }
0x3c: {  	p2 =	seq.s32 s10, $0x1;
	s10 =	sld [smem:$0x3FBA]  }
0x3d: {  	_ =	shalt  }
0x3e: {  	_ =	shalt  }
0x3f: {  	_ =	shalt  }
0x40: {  	_ =	shalt  }
0x41: {  	_ =	shalt  }
0x42: {  	_ =	shalt  }
0x43: {  	_ =	shalt  }
0x44: {  	_ =	shalt  }
0x45: {  	_ =	shalt  }
0x46: {  	_ =	shalt  }
0x47: {  	_ =	shalt  }
0x48: {  	_ =	shalt  }
0x49: {  	_ =	shalt  }
0x4a: {  	_ =	shalt  }
0x4b: {  	_ =	shalt  }
0x4c: {  	_ =	shalt  }
0x4d: {  	_ =	shalt  }
0x4e: {  	_ =	shalt  }
0x4f: {  	_ =	shalt  }
0x50: {  	_ =	shalt  }
0x51: {  	_ =	shalt  }
0x52: {  	_ =	shalt  }
0x53: {  	_ =	shalt  }
0x54: {  	_ =	shalt  }
0x55: {  	_ =	shalt  }
0x56: {  	_ =	shalt  }
0x57: {  	_ =	shalt  }
0x58: {  	_ =	shalt  }
0x59: {  	_ =	shalt  }
0x5a: {  	_ =	shalt  }
0x5b: {  	_ =	shalt  }
0x5c: {  	_ =	shalt  }
0x5d: {  	_ =	shalt  }
0x5e: {  	_ =	shalt  }
0x5f: {  	_ =	shalt  }
0x60: {  	_ =	shalt  }
0x61: {  	_ =	shalt  }
0x62: {  	_ =	shalt  }
0x63: {  	_ =	shalt  }
0x64: {  	_ =	shalt  }
0x65: {  	_ =	shalt  }
0x66: {  	_ =	shalt  }
0x67: {  	_ =	shalt  }
0x68: {  	_ =	shalt  }
0x69: {  	_ =	shalt  }
0x6a: {  	_ =	shalt  }
0x6b: {  	_ =	shalt  }
0x6c: {  	_ =	shalt  }
0x6d: {  	_ =	shalt  }
0x6e: {  	_ =	shalt  }
0x6f: {  	_ =	shalt  }
0x70: {  	_ =	shalt  }
0x71: {  	_ =	shalt  }
0x72: {  	_ =	shalt  }
0x73: {  	_ =	shalt  }
0x74: {  	_ =	shalt  }
0x75: {  	_ =	shalt  }
0x76: {  	_ =	shalt  }
0x77: {  	_ =	shalt  }
0x78: {  	_ =	shalt  }
0x79: {  	_ =	shalt  }
0x7a: {  	_ =	shalt  }
0x7b: {  	_ =	shalt  }
0x7c: {  	_ =	shalt  }
0x7d: {  	_ =	shalt  }
0x7e: {  	_ =	shalt  }
0x7f: {  	_ =	shalt  }
0x80: {  	_ =	shalt  }
0x81: {  	_ =	shalt  }
0x82: {  	_ =	shalt  }
0x83: {  	_ =	shalt  }
0x84: {  	_ =	shalt  }
0x85: {  	_ =	shalt  }
0x86: {  	_ =	shalt  }
0x87: {  	_ =	shalt  }
.Lfunc_end0:
.L_simem_size_0:
called_computation_lowered:
.L_overlay_start_0:
0x88: {  	s2 =	sld [smem:$0x3FD9]  }
0x89: {  	s3 =	sld [smem:$0x3FFE];
	_ =	sdelay $0x1  }
0x8a: {  	s1 =	srdreg.scid  }
0x8b: {  	s0 =	sand.u32 $0x1, s1  }
0x8c: {  	s17 =	sshll.u32 s0, $0xA;
	s2 =	sadd.s32 s3, s2  }
0x8d: {  	s2 =	sadd.s32 s2, s17  }
0x8e: {  	[smem:$0x3FC6] =	sst s2  }
0x8f: {  	_ = 	snop  }
0x90: {  	s2 =	sld [smem:$0x3FC8]  }
0x91: {  	s18 =	sld [smem:$0x3FD0];
	(tm) =	ssettm $0x1  }
0x92: {  	s4 =	sld [smem:$0x3FFB];
	_ =	sdelay $0x3  }
0x93: {  	_ =	strace s4  }
0x94: {  	s4 =	sld [smem:$0x3FFC];
	_ =	sdelay $0x3  }
0x95: {  	_ =	strace s4  }
0x96: {  	s4 =	sld [smem:$0x3FFD];
	_ =	sdelay $0x3  }
0x97: {  	_ =	strace s4  }
0x98: {  	_ =	strace $0x8FFFFFFF  }
0x99: {  	s19 =	sld [smem:$0x3FDB];
	_ =	sdelay $0x1  }
0x9a: {  	s5 =	simm.s32 $_scs_section_size  }
0x9b: {  	s6 =	simm.s32 $_size__tile_overlayer_lowered;
	s7 =	simm.s32 $_tile_overlayer_lowered  }
0x9c: {  	s22 =	simm.s32 $0x1BFF;
	s21 =	sshll.u32 s7, $0x1;
	s4 =	sadd.s32 s5, s19  }
0x9d: {  	s8 =	simm.s32 $0x0;
	s20 =	sshll.u32 s6, $0x1;
	s6 =	sadd.s32 s21, s4  }
0x9e: {  	[timem:s8], [sflag:s22] =	dma.local [hbm:s6], s20  }
0x9f: {  	_ =	swait.ge [sflag:s22], s20  }
0xa0: {  	s5 =	ssub.s32 $0x0, s20;
	[sflag:s22] =	ssyncset.done $0x0  }
0xa1: {  	[sflag:s22] =	ssyncadd.s32 s5;
	_ =	sdelay $0x1  }
0xa2: {  	s23 =	simm.s32 $0x1B8B  }
0xa3: {  	_ =	swait.ge [sflag:s23], $0x1  }
0xa4: {  	[sflag:s23] =	ssyncset.done $0x0  }
0xa5: {  	s25 =	simm.s32 $0x1B8E;
	s24 =	sld [smem:$0x3FFE];
	[sflag:s23] =	ssyncadd.s32 $0xFFFFFFFF  }
0xa6: {  	s26 =	simm.s32 $execute0_lowered;
	[smem:$0x3FD2] =	sst s25  }
0xa7: {  	s6 =	sshll.u32 s26, $0x1;
	_ =	strace $0x80000046;
	[dreg:$0x1] =	wrdreg $0xFFFFFFFF  }
0xa8: {  	s28 =	simm.s32 $_size_execute0_lowered;
	s4 =	sadd.s32 s4, s6;
	[dreg:$0x0] =	wrdreg $0x0  }
0xa9: {  	s6 =	sshll.u32 s28, $0x1;
	[dreg:$0x2] =	wrdreg s4  }
0xaa: {  	[dreg:$0x3] =	wrdreg s6  }
0xab: {  	[dreg:$0x4] =	wrdreg $0xC0  }
0xac: {  	_ =	task [dreg:s8], $0x5FFFF  }
0xad: {  	[dreg:$0x1] =	wrdreg $0xFFFFFFFF  }
0xae: {  	[dreg:$0x0] =	wrdreg $0x60  }
0xaf: {  	[dreg:$0x2] =	wrdreg s2  }
0xb0: {  	[dreg:$0x3] =	wrdreg s24  }
0xb1: {  	[dreg:$0x4] =	wrdreg s18  }
0xb2: {  	[dreg:$0x5] =	wrdreg $0x9  }
0xb3: {  	_ =	task.clear_ibuf [dreg:s8], $0x6FFFF;
	_ =	strace $0x90000046  }
0xb4: {  	s29 =	simm.s32 $0x9;
	_ =	strace $0x80000048  }
0xb5: {  	_ =	swait.ge [sflag:s29], $0x1  }
0xb6: {  	[sflag:s29] =	ssyncadd.s32 $0xFFFFFFFF  }
0xb7: {  	_ =	strace $0x90000048  }
0xb8: {  	_ =	sfence  }
0xb9: {  	s30 =	sld [smem:$0x0];
	_ =	sdelay $0x2  }
0xba: {  	s31 =	sshll.u32 s1, $0xD;
	s1 =	sshrl.u32 s1, $0x2  }
0xbb: {  	s3 =	sand.u32 $0x4000, s31;
	s1 =	sadd.s32 s1, s30  }
0xbc: {  	s0 =	sor.u32 s3, s0;
	s1 =	sshll.u32 s1, $0x11  }
0xbd: {  	s0 =	sor.u32 s1, s0  }
0xbe: {  	s0 =	sadd.s32 $0x8F2B, s0  }
0xbf: {  	[sflag:s0] =	ssyncadd.remote.s32 $0x1  }
0xc0: {  	_ =	sfence.sel $0xFFFF  }
0xc1: {  	[dreg:$0x0] =	wrdreg $0xFFFFFFFF;
	(pc) =	sbr.abs _section_cstart, $3  }
0xc2: {  	[dreg:$0x1] =	wrdreg $0xFFFFFFFF  }
0xc3: {  	_ =	task.clear_ibuf [dreg:s8], $0x2FFFF;
	_ =	strace $0x9FFFFFFF  }
0xc4: {  	(tm) =	ssettm $0x7FFFFFFF  }
0xc5: {  	_ =	shalt  }
tec
execute0_lowered:
.L_overlay_start_1:
0x0: {  	(tag) =	ssettag $0x1  }
0x1: {  	s0 =	rddreg [dreg:$0x0]  }
0x2: {  	s3 =	rddreg [dreg:$0x1]  }
0x3: {  	s5 =	rddreg [dreg:$0x2]  }
0x4: {  	s2 =	simm.s32 $0x0;
	s1 =	stileid.u32;
	s4 =	srdreg.scid  }
0x5: {  	s10 =	simm.s32 $0x2;
	s14 =	simm.s32 $0x7000;
	s15 =	simm.s32 $0x9000  }
0x6: {  	s16 =	simm.s32 $0x1;
	s17 =	simm.s32 $0x0;
	[smem:$0x7FF] =	sst s2  }
0x7: {  	s6 =	sshll.u32 s1, $0x1;
	s7 =	sshrl.u32 s1, $0x2;
	s4 =	sand.u32 $0x1, s4  }
0x8: {  	_ =	strace $0x80000047;
	s6 =	sand.u32 $0x6, s6;
	s8 =	sshll.u32 s7, $0x9  }
0x9: {  	s9 =	ssub.s32 $0x2, s4;
	s7 =	sshll.u32 s7, $0xF;
	s4 =	sor.u32 s4, s6  }
0xa: {  	s30 =	sshrl.u32 s9, $0x1;
	s8 =	sadd.s32 s8, s3;
	s4 =	sshll.u32 s4, $0xA  }
0xb: {  	s9 =	ssub.s32 s9, s30;
	s31 =	sor.u32 s7, s4;
	s3 =	sadd.s32 s0, s4  }
0xc: {  	s4 =	sadd.s32 $0xA00, s8;
	s9 =	smax.u32 s9, $0x1;
	s5 =	sadd.s32 s5, s31  }
0xd: {  	s6 =	sadd.s32 $0x2000, s5;
	s7 =	sadd.s32 $0x4000, s5;
	s8 =	sadd.s32 $0x6000, s5  }
.LBB2_1:
0xe: {  	[tilespmem:s2], [sflag:$0x2] =	stream.linear.gather [hbm4b:s3+s2], $0x2000, $0x38;
	[tilespmem:$0xB000] =	vst v63  }
0xf: {  	_ =	swait.ge [sflag:s10], $0x2000  }
0x10: {  	[sflag:s10] =	ssyncset.done $0x0  }
0x11: {  	s0 =	simm.s32 $0x2000;
	s26 =	simm.s32 $0x0;
	[sflag:s10] =	ssyncadd.s32 $0xFFFFE000  }
0x12: {  	[tilespmem:s0], [sflag:$0x2] =	stream.linear.gather [hbm4b:s4+s2], $0x1000, $0x38;
	[tilespmem:$0xB000] =	vst v63  }
0x13: {  	s19 =	sand.u32 $0x40, s2;
	s0 =	sand.u32 $0x3FFFFF80, s26;
	_ =	swait.ge [sflag:s10], $0x1000  }
0x14: {  	s21 =	sor.u32 $0x30, s19;
	s0 =	sadd.s32 $0x2000, s0;
	[sflag:s10] =	ssyncset.done $0x0  }
0x15: {  	s18 =	sor.u32 s21, s0;
	[sflag:s10] =	ssyncadd.s32 $0xFFFFF000  }
0x16: {  	v0 =	vld [tilespmem:s18+$0x0];
	_ =	sdelay $0x4  }
0x17: {  	s29 =	sor.u32 s19, s0;
	v1 =	vshll.u32 v0, $0x3  }
0x18: {  	s23 =	simm.s32 $0x40;
	s20 =	sor.u32 $0x10, s19;
	s22 =	sor.u32 $0x20, s19;
	v2 =	vld [tilespmem:s29+$0x0];
	v0 =	vand.u32 $0x7F, v0;
	v1 =	vand.u32 $0xFFFFFC00, v1  }
0x19: {  	s23 =	sand.u32 $0x3FFFFF80, s23;
	s30 =	sor.u32 s20, s0;
	s18 =	simm.s32 $0x40;
	v0 =	vor.u32 v0, v1  }
0x1a: {  	s26 =	sadd.s32 $0x2000, s23;
	s0 =	sor.u32 s22, s0;
	v4 =	vld [tilespmem:s30+$0x0];
	s25 =	sand.u32 $0x40, s18;
	v1 =	vor.u32 $0x380, v0  }
0x1b: {  	v6 =	vld [tilespmem:s0+$0x0];
	s28 =	sor.u32 $0x10, s25;
	s12 =	sor.u32 s25, s26;
	v3 =	vor.u32 $0x80, v0  }
0x1c: {  	s30 =	sor.u32 s28, s26;
	v26 =	vld [tilespmem:s12+$0x0];
	v5 =	vor.u32 $0x100, v0  }
0x1d: {  	v33 =	vld [tilespmem:s30+$0x0];
	v8 =	vshll.u32 v2, $0x3;
	v7 =	vor.u32 $0x180, v0  }
0x1e: {  	v2 =	vand.u32 $0x7F, v2;
	v8 =	vand.u32 $0xFFFFFC00, v8;
	v10 =	vor.u32 $0x200, v0;
	v9 =	vld.idx.msk [tilespmem:v0+s2+$0x0], $0xffff  }
0x1f: {  	v2 =	vor.u32 v2, v8;
	v11 =	vor.u32 $0x280, v0;
	v1 =	vld.idx.msk [tilespmem:v1+s2+$0x0], $0xffff  }
0x20: {  	v8 =	vor.u32 $0x80, v2;
	v3 =	vld.idx.msk [tilespmem:v3+s2+$0x0], $0xffff  }
0x21: {  	v12 =	vor.u32 $0x100, v2;
	v5 =	vld.idx.msk [tilespmem:v5+s2+$0x0], $0xffff  }
0x22: {  	v13 =	vor.u32 $0x180, v2;
	v7 =	vld.idx.msk [tilespmem:v7+s2+$0x0], $0xffff  }
0x23: {  	v14 =	vor.u32 $0x200, v2;
	v10 =	vld.idx.msk [tilespmem:v10+s2+$0x0], $0xffff  }
0x24: {  	v15 =	vshll.u32 v4, $0x3;
	v16 =	vor.u32 $0x280, v2;
	v11 =	vld.idx.msk [tilespmem:v11+s2+$0x0], $0xffff  }
0x25: {  	v4 =	vand.u32 $0x7F, v4;
	v15 =	vand.u32 $0xFFFFFC00, v15;
	v17 =	vor.u32 $0x300, v2;
	v8 =	vld.idx.msk [tilespmem:v8+s2+$0x0], $0xffff  }
0x26: {  	v4 =	vor.u32 v4, v15;
	v15 =	vor.u32 $0x380, v2;
	v12 =	vld.idx.msk [tilespmem:v12+s2+$0x0], $0xffff  }
0x27: {  	v18 =	vor.u32 $0x80, v4;
	v13 =	vld.idx.msk [tilespmem:v13+s2+$0x0], $0xffff  }
0x28: {  	v19 =	vor.u32 $0x100, v4;
	v14 =	vld.idx.msk [tilespmem:v14+s2+$0x0], $0xffff  }
0x29: {  	v20 =	vor.u32 $0x180, v4;
	v16 =	vld.idx.msk [tilespmem:v16+s2+$0x0], $0xffff  }
0x2a: {  	v21 =	vor.u32 $0x200, v4;
	v17 =	vld.idx.msk [tilespmem:v17+s2+$0x0], $0xffff  }
0x2b: {  	v22 =	vshll.u32 v6, $0x3;
	v23 =	vor.u32 $0x280, v4;
	v15 =	vld.idx.msk [tilespmem:v15+s2+$0x0], $0xffff  }
0x2c: {  	v6 =	vand.u32 $0x7F, v6;
	v22 =	vand.u32 $0xFFFFFC00, v22;
	v24 =	vor.u32 $0x300, v4;
	v25 =	vld.idx.msk [tilespmem:v18+s2+$0x0], $0xffff  }
0x2d: {  	v6 =	vor.u32 v6, v22;
	v18 =	vor.u32 $0x380, v4;
	v22 =	vld.idx.msk [tilespmem:v19+s2+$0x0], $0xffff  }
0x2e: {  	v19 =	vor.u32 $0x80, v6;
	v27 =	vld.idx.msk [tilespmem:v20+s2+$0x0], $0xffff  }
0x2f: {  	v21 =	vld.idx.msk [tilespmem:v21+s2+$0x0], $0xffff  }
0x30: {  	s31 =	simm.s32 $0x0;
	v0 =	vor.u32 $0x300, v0;
	v28 =	vld.idx.msk [tilespmem:v23+s2+$0x0], $0xffff  }
0x31: {  	s24 =	sand.u32 $0x6000, s2;
	s0 =	sand.u32 $0x1C00, s31;
	v20 =	vor.u32 $0x100, v6;
	v24 =	vld.idx.msk [tilespmem:v24+s2+$0x0], $0xffff  }
0x32: {  	s0 =	sor.u32 s0, s24;
	s1 =	sor.u32 $0x30, s25;
	v29 =	vld.idx.msk [tilespmem:v18+s2+$0x0], $0xffff  }
0x33: {  	s0 =	sadd.s32 $0x3000, s0;
	s11 =	sor.u32 s1, s26;
	v23 =	vor.u32 $0x200, v6;
	v30 =	vld.idx.msk [tilespmem:v19+s2+$0x0], $0xffff  }
0x34: {  	s21 =	sor.u32 s21, s0;
	v18 =	vor.u32 $0x180, v6;
	v19 =	vld [tilespmem:s11+$0x0]  }
0x35: {  	s29 =	sor.u32 $0x20, s25;
	v0 =	vld.idx.msk [tilespmem:v0+s2+$0x0], $0xffff;
	[tilespmem:s21+$0x0] =	vst v9  }
0x36: {  	s13 =	sor.u32 s29, s26;
	v32 =	vld.idx.msk [tilespmem:v20+s2+$0x0], $0xffff;
	v20 =	vor.u32 $0x280, v6;
	[tilespmem:s21+$0x380] =	vst v1  }
0x37: {  	v1 =	vor.u32 $0x300, v6;
	[tilespmem:s21+$0x100] =	vst v5;
	v5 =	vld [tilespmem:s13+$0x0]  }
0x38: {  	[tilespmem:s21+$0x80] =	vst v3;
	v34 =	vld.idx.msk [tilespmem:v23+s2+$0x0], $0xffff  }
0x39: {  	v3 =	vor.u32 $0x380, v6;
	[tilespmem:s21+$0x180] =	vst v7;
	v7 =	vld.idx.msk [tilespmem:v18+s2+$0x0], $0xffff;
	v18 =	vshll.u32 v19, $0x3  }
0x3a: {  	[tilespmem:s21+$0x200] =	vst v10;
	v6 =	vld.idx.msk [tilespmem:v6+s2+$0x0], $0xffff;
	v10 =	vand.u32 $0xFFFFFC00, v18;
	v18 =	vand.u32 $0x7F, v19  }
0x3b: {  	[tilespmem:s21+$0x280] =	vst v11;
	v39 =	vld.idx.msk [tilespmem:v20+s2+$0x0], $0xffff;
	v10 =	vor.u32 v18, v10  }
0x3c: {  	s19 =	sor.u32 s19, s0;
	[tilespmem:s21+$0x300] =	vst v0;
	v40 =	vld.idx.msk [tilespmem:v1+s2+$0x0], $0xffff;
	v0 =	vor.u32 $0x380, v10  }
0x3d: {  	v1 =	vld.idx.msk [tilespmem:v2+s2+$0x0], $0xffff;
	[tilespmem:s19+$0x80] =	vst v8;
	v9 =	vor.u32 $0x80, v10  }
0x3e: {  	v41 =	vld.idx.msk [tilespmem:v3+s2+$0x0], $0xffff;
	[tilespmem:s19+$0x100] =	vst v12;
	v2 =	vor.u32 $0x100, v10  }
0x3f: {  	v3 =	vld.idx.msk [tilespmem:v4+s2+$0x0], $0xffff;
	[tilespmem:s19+$0x180] =	vst v13;
	v8 =	vor.u32 $0x180, v10  }
0x40: {  	v12 =	vshll.u32 v26, $0x3;
	[tilespmem:s19+$0x200] =	vst v14;
	v11 =	vor.u32 $0x200, v10;
	v4 =	vld.idx.msk [tilespmem:v10+s2+$0x0], $0xffff  }
0x41: {  	[tilespmem:s19+$0x280] =	vst v16;
	v13 =	vor.u32 $0x280, v10;
	v14 =	vld.idx.msk [tilespmem:v0+s2+$0x0], $0xffff;
	v0 =	vand.u32 $0xFFFFFC00, v12;
	v12 =	vand.u32 $0x7F, v26  }
0x42: {  	[tilespmem:s19+$0x300] =	vst v17;
	v18 =	vld.idx.msk [tilespmem:v9+s2+$0x0], $0xffff;
	v9 =	vor.u32 $0x300, v10;
	v0 =	vor.u32 v12, v0  }
0x43: {  	s20 =	sor.u32 s20, s0;
	[tilespmem:s19+$0x380] =	vst v15;
	v19 =	vld.idx.msk [tilespmem:v2+s2+$0x0], $0xffff;
	v2 =	vor.u32 $0x80, v0  }
0x44: {  	[tilespmem:s20+$0x80] =	vst v25;
	v20 =	vld.idx.msk [tilespmem:v8+s2+$0x0], $0xffff;
	v8 =	vor.u32 $0x100, v0  }
0x45: {  	[tilespmem:s20+$0x100] =	vst v22;
	v23 =	vld.idx.msk [tilespmem:v11+s2+$0x0], $0xffff;
	v10 =	vor.u32 $0x180, v0  }
0x46: {  	s26 =	simm.s32 $0x200;
	s21 =	simm.s32 $0x200;
	[tilespmem:s20+$0x180] =	vst v27;
	v26 =	vld.idx.msk [tilespmem:v13+s2+$0x0], $0xffff;
	v11 =	vor.u32 $0x200, v0  }
0x47: {  	s24 =	sand.u32 $0x1C00, s26;
	s30 =	sand.u32 $0x6000, s21;
	[tilespmem:s20+$0x200] =	vst v21;
	v12 =	vor.u32 $0x280, v0;
	v31 =	vld.idx.msk [tilespmem:v9+s2+$0x0], $0xffff;
	v9 =	vshll.u32 v33, $0x3  }
0x48: {  	[tilespmem:s20+$0x280] =	vst v28;
	s24 =	sor.u32 s24, s30;
	v13 =	vand.u32 $0x7F, v33;
	v22 =	vor.u32 $0x300, v0;
	v9 =	vand.u32 $0xFFFFFC00, v9;
	v15 =	vld.idx.msk [tilespmem:v2+s2+$0x0], $0xffff  }
0x49: {  	[tilespmem:s20+$0x300] =	vst v24;
	s31 =	sadd.s32 $0x3000, s24;
	v2 =	vor.u32 v13, v9;
	v9 =	vor.u32 $0x380, v0;
	v17 =	vld.idx.msk [tilespmem:v8+s2+$0x0], $0xffff  }
0x4a: {  	[tilespmem:s20+$0x380] =	vst v29;
	s24 =	sor.u32 s1, s31;
	v16 =	vld.idx.msk [tilespmem:v10+s2+$0x0], $0xffff;
	v8 =	vor.u32 $0x80, v2  }
0x4b: {  	s22 =	sor.u32 s22, s0;
	[tilespmem:s24+$0x380] =	vst v14;
	v14 =	vld.idx.msk [tilespmem:v11+s2+$0x0], $0xffff;
	v21 =	vor.u32 $0x100, v2  }
0x4c: {  	[tilespmem:s22+$0x80] =	vst v30;
	v13 =	vld.idx.msk [tilespmem:v12+s2+$0x0], $0xffff;
	v24 =	vor.u32 $0x180, v2  }
0x4d: {  	[tilespmem:s22+$0x100] =	vst v32;
	v10 =	vshll.u32 v5, $0x3;
	v12 =	vld.idx.msk [tilespmem:v22+s2+$0x0], $0xffff;
	v25 =	vor.u32 $0x200, v2  }
0x4e: {  	[tilespmem:s22+$0x200] =	vst v34;
	v5 =	vand.u32 $0x7F, v5;
	v10 =	vand.u32 $0xFFFFFC00, v10;
	v38 =	vor.u32 $0x280, v2;
	v11 =	vld.idx.msk [tilespmem:v9+s2+$0x0], $0xffff  }
0x4f: {  	[tilespmem:s22+$0x180] =	vst v7;
	v37 =	vor.u32 $0x300, v2;
	v5 =	vor.u32 v5, v10;
	v10 =	vld.idx.msk [tilespmem:v8+s2+$0x0], $0xffff  }
0x50: {  	[tilespmem:s22+$0x280] =	vst v39;
	v36 =	vor.u32 $0x380, v2;
	v35 =	vor.u32 $0x80, v5;
	v9 =	vld.idx.msk [tilespmem:v21+s2+$0x0], $0xffff  }
0x51: {  	s23 =	simm.s32 $0x4;
	[tilespmem:s22+$0x300] =	vst v40;
	v34 =	vor.u32 $0x100, v5;
	v32 =	vor.u32 $0x180, v5;
	v33 =	vor.u32 $0x200, v5;
	v8 =	vld.idx.msk [tilespmem:v24+s2+$0x0], $0xffff  }
0x52: {  	s26 =	sor.u32 s25, s31;
	s25 =	sor.u32 s28, s31;
	s28 =	sor.u32 s29, s31;
	[tilespmem:s22+$0x380] =	vst v41;
	v30 =	vor.u32 $0x280, v5;
	v27 =	vor.u32 $0x300, v5;
	v28 =	vor.u32 $0x380, v5;
	v7 =	vld.idx.msk [tilespmem:v25+s2+$0x0], $0xffff  }
.LBB2_2:
0x53: {  	s23 =	sadd.s32 $0x4, s23;
	v21 =	vld.idx.msk [tilespmem:v38+s2+$0x0], $0xffff;
	[tilespmem:s24+$0x80] =	vst v18  }
0x54: {  	s18 =	sadd.s32 $0x40, s18;
	s0 =	sshll.u32 s23, $0x4;
	p0 =	slt.u32 s23, $0xFC;
	v22 =	vld.idx.msk [tilespmem:v37+s2+$0x0], $0xffff;
	[tilespmem:s24+$0x100] =	vst v19  }
0x55: {  	s29 =	sand.u32 $0x40, s18;
	s0 =	sand.u32 $0x3FFFFF80, s0;
	v24 =	vld.idx.msk [tilespmem:v36+s2+$0x0], $0xffff;
	[tilespmem:s24+$0x180] =	vst v20  }
0x56: {  	s31 =	sor.u32 $0x30, s29;
	s1 =	sadd.s32 $0x2000, s0;
	s0 =	sor.u32 $0x10, s29;
	v25 =	vld.idx.msk [tilespmem:v35+s2+$0x0], $0xffff;
	[tilespmem:s24+$0x200] =	vst v23  }
0x57: {  	s30 =	sor.u32 $0x20, s29;
	s11 =	sor.u32 s29, s1;
	s12 =	sor.u32 s31, s1;
	v29 =	vld.idx.msk [tilespmem:v34+s2+$0x0], $0xffff;
	[tilespmem:s24+$0x280] =	vst v26  }
0x58: {  	s13 =	sor.u32 s0, s1;
	s1 =	sor.u32 s30, s1;
	v18 =	vld [tilespmem:s12+$0x0];
	[tilespmem:s24+$0x300] =	vst v31  }
0x59: {  	v19 =	vld [tilespmem:s11+$0x0];
	[tilespmem:s19+$0x0] =	vst v1;
	s19 =	smov.u32 s26  }
0x5a: {  	v20 =	vld [tilespmem:s13+$0x0];
	[tilespmem:s20+$0x0] =	vst v3;
	s20 =	smov.u32 s25  }
0x5b: {  	v3 =	vld [tilespmem:s1+$0x0];
	[tilespmem:s22+$0x0] =	vst v6;
	s22 =	smov.u32 s28  }
0x5c: {  	v39 =	vld.idx.msk [tilespmem:v32+s2+$0x0], $0xffff;
	[tilespmem:s24+$0x0] =	vst v4  }
0x5d: {  	v1 =	vshll.u32 v18, $0x3;
	v40 =	vld.idx.msk [tilespmem:v33+s2+$0x0], $0xffff  }
0x5e: {  	v6 =	vand.u32 $0x7F, v18;
	v4 =	vshll.u32 v19, $0x3;
	v1 =	vand.u32 $0xFFFFFC00, v1;
	v41 =	vld.idx.msk [tilespmem:v30+s2+$0x0], $0xffff  }
0x5f: {  	v4 =	vand.u32 $0xFFFFFC00, v4;
	v18 =	vshll.u32 v20, $0x3;
	v23 =	vor.u32 v6, v1;
	v42 =	vld.idx.msk [tilespmem:v27+s2+$0x0], $0xffff  }
0x60: {  	v6 =	vand.u32 $0xFFFFFC00, v18;
	v1 =	vshll.u32 v3, $0x3;
	v18 =	vor.u32 $0x380, v23;
	v43 =	vld.idx.msk [tilespmem:v28+s2+$0x0], $0xffff  }
0x61: {  	v19 =	vand.u32 $0x7F, v19;
	v27 =	vor.u32 $0x80, v23;
	v26 =	vand.u32 $0xFFFFFC00, v1;
	v1 =	vld.idx.msk [tilespmem:v0+s2+$0x0], $0xffff;
	[tilespmem:s19+$0x80] =	vst v15  }
0x62: {  	v28 =	vor.u32 $0x100, v23;
	v15 =	vand.u32 $0x7F, v20;
	v20 =	vand.u32 $0x7F, v3;
	[tilespmem:s19+$0x100] =	vst v17;
	v3 =	vld.idx.msk [tilespmem:v2+s2+$0x0], $0xffff  }
0x63: {  	v0 =	vor.u32 v19, v4;
	v2 =	vor.u32 v15, v6;
	v15 =	vor.u32 $0x180, v23;
	[tilespmem:s19+$0x180] =	vst v16;
	v6 =	vld.idx.msk [tilespmem:v5+s2+$0x0], $0xffff  }
0x64: {  	v17 =	vor.u32 $0x200, v23;
	v16 =	vor.u32 $0x80, v0;
	v5 =	vor.u32 v20, v26;
	v4 =	vld.idx.msk [tilespmem:v23+s2+$0x0], $0xffff;
	[tilespmem:s19+$0x200] =	vst v14  }
0x65: {  	v44 =	vor.u32 $0x180, v0;
	v26 =	vor.u32 $0x280, v23;
	v14 =	vor.u32 $0x100, v0;
	v45 =	vld.idx.msk [tilespmem:v18+s2+$0x0], $0xffff;
	[tilespmem:s19+$0x280] =	vst v13  }
0x66: {  	s21 =	sadd.s32 $0x200, s21;
	s1 =	sshll.u32 s23, $0x7;
	v31 =	vor.u32 $0x300, v23;
	v46 =	vor.u32 $0x280, v0;
	v13 =	vor.u32 $0x200, v0;
	v18 =	vld.idx.msk [tilespmem:v27+s2+$0x0], $0xffff;
	[tilespmem:s19+$0x300] =	vst v12  }
0x67: {  	s11 =	sand.u32 $0x6000, s21;
	s1 =	sand.u32 $0x1C00, s1;
	v47 =	vor.u32 $0x380, v0;
	v48 =	vor.u32 $0x80, v2;
	v12 =	vor.u32 $0x300, v0;
	v19 =	vld.idx.msk [tilespmem:v28+s2+$0x0], $0xffff;
	[tilespmem:s19+$0x380] =	vst v11  }
0x68: {  	s1 =	sor.u32 s1, s11;
	v49 =	vor.u32 $0x100, v2;
	v50 =	vor.u32 $0x180, v2;
	v51 =	vor.u32 $0x200, v2;
	v20 =	vld.idx.msk [tilespmem:v15+s2+$0x0], $0xffff;
	[tilespmem:s20+$0x80] =	vst v10  }
0x69: {  	s1 =	sadd.s32 $0x3000, s1;
	v38 =	vor.u32 $0x280, v2;
	v37 =	vor.u32 $0x300, v2;
	v36 =	vor.u32 $0x380, v2;
	v23 =	vld.idx.msk [tilespmem:v17+s2+$0x0], $0xffff;
	[tilespmem:s20+$0x100] =	vst v9  }
0x6a: {  	s26 =	sor.u32 s29, s1;
	s25 =	sor.u32 s0, s1;
	s24 =	sor.u32 s31, s1;
	v35 =	vor.u32 $0x80, v5;
	v34 =	vor.u32 $0x100, v5;
	v32 =	vor.u32 $0x180, v5;
	v26 =	vld.idx.msk [tilespmem:v26+s2+$0x0], $0xffff;
	[tilespmem:s20+$0x180] =	vst v8  }
0x6b: {  	s28 =	sor.u32 s30, s1;
	v33 =	vor.u32 $0x200, v5;
	v30 =	vor.u32 $0x280, v5;
	v27 =	vor.u32 $0x300, v5;
	v31 =	vld.idx.msk [tilespmem:v31+s2+$0x0], $0xffff;
	[tilespmem:s24+$0x380] =	vst v45  }
0x6c: {  	v28 =	vor.u32 $0x380, v5;
	v15 =	vld.idx.msk [tilespmem:v16+s2+$0x0], $0xffff;
	[tilespmem:s20+$0x200] =	vst v7  }
0x6d: {  	v17 =	vld.idx.msk [tilespmem:v14+s2+$0x0], $0xffff;
	[tilespmem:s20+$0x280] =	vst v21  }
0x6e: {  	v16 =	vld.idx.msk [tilespmem:v44+s2+$0x0], $0xffff;
	[tilespmem:s20+$0x300] =	vst v22  }
0x6f: {  	v14 =	vld.idx.msk [tilespmem:v13+s2+$0x0], $0xffff;
	[tilespmem:s20+$0x380] =	vst v24  }
0x70: {  	v13 =	vld.idx.msk [tilespmem:v46+s2+$0x0], $0xffff;
	[tilespmem:s22+$0x80] =	vst v25  }
0x71: {  	v12 =	vld.idx.msk [tilespmem:v12+s2+$0x0], $0xffff;
	[tilespmem:s22+$0x100] =	vst v29  }
.Ltmp0:
0x72: {  	v11 =	vld.idx.msk [tilespmem:v47+s2+$0x0], $0xffff;
	[tilespmem:s22+$0x180] =	vst v39;
	(pc) =	sbr.rel @p0 .LBB2_2-.Ltmp0, $4  }
0x73: {  	v10 =	vld.idx.msk [tilespmem:v48+s2+$0x0], $0xffff;
	[tilespmem:s22+$0x200] =	vst v40  }
0x74: {  	v9 =	vld.idx.msk [tilespmem:v49+s2+$0x0], $0xffff;
	[tilespmem:s22+$0x280] =	vst v41  }
0x75: {  	v8 =	vld.idx.msk [tilespmem:v50+s2+$0x0], $0xffff;
	[tilespmem:s22+$0x300] =	vst v42  }
0x76: {  	v7 =	vld.idx.msk [tilespmem:v51+s2+$0x0], $0xffff;
	[tilespmem:s22+$0x380] =	vst v43  }
0x77: {  	[tilespmem:s24+$0x80] =	vst v18  }
0x78: {  	[tilespmem:s24+$0x100] =	vst v19  }
0x79: {  	[tilespmem:s24+$0x180] =	vst v20  }
0x7a: {  	[tilespmem:s24+$0x200] =	vst v23  }
0x7b: {  	[tilespmem:s24+$0x280] =	vst v26  }
0x7c: {  	[tilespmem:s24+$0x300] =	vst v31  }
0x7d: {  	[tilespmem:s19+$0x0] =	vst v1  }
0x7e: {  	[tilespmem:s20+$0x0] =	vst v3  }
0x7f: {  	[tilespmem:s22+$0x0] =	vst v6  }
0x80: {  	[tilespmem:s24+$0x0] =	vst v4  }
0x81: {  	v0 =	vld.idx.msk [tilespmem:v0+s2+$0x0], $0xffff;
	[tilespmem:s26+$0x80] =	vst v15  }
0x82: {  	[tilespmem:s26+$0x100] =	vst v17  }
0x83: {  	[tilespmem:s26+$0x180] =	vst v16  }
0x84: {  	v53 =	vld.idx.msk [tilespmem:v38+s2+$0x0], $0xffff;
	[tilespmem:s26+$0x200] =	vst v14  }
0x85: {  	v54 =	vld.idx.msk [tilespmem:v37+s2+$0x0], $0xffff;
	[tilespmem:s26+$0x280] =	vst v13  }
0x86: {  	v55 =	vld.idx.msk [tilespmem:v36+s2+$0x0], $0xffff;
	[tilespmem:s26+$0x300] =	vst v12  }
0x87: {  	v56 =	vld.idx.msk [tilespmem:v35+s2+$0x0], $0xffff;
	[tilespmem:s26+$0x380] =	vst v11  }
0x88: {  	v2 =	vld.idx.msk [tilespmem:v2+s2+$0x0], $0xffff;
	[tilespmem:s25+$0x80] =	vst v10  }
0x89: {  	v57 =	vld.idx.msk [tilespmem:v34+s2+$0x0], $0xffff;
	[tilespmem:s25+$0x100] =	vst v9  }
0x8a: {  	v58 =	vld.idx.msk [tilespmem:v32+s2+$0x0], $0xffff;
	[tilespmem:s25+$0x180] =	vst v8  }
0x8b: {  	v59 =	vld.idx.msk [tilespmem:v33+s2+$0x0], $0xffff;
	[tilespmem:s25+$0x200] =	vst v7  }
0x8c: {  	v60 =	vld.idx.msk [tilespmem:v30+s2+$0x0], $0xffff;
	[tilespmem:s25+$0x280] =	vst v53  }
0x8d: {  	v61 =	vld.idx.msk [tilespmem:v27+s2+$0x0], $0xffff;
	[tilespmem:s25+$0x300] =	vst v54  }
0x8e: {  	v62 =	vld.idx.msk [tilespmem:v28+s2+$0x0], $0xffff;
	[tilespmem:s25+$0x380] =	vst v55  }
0x8f: {  	v63 =	vld.idx.msk [tilespmem:v5+s2+$0x0], $0xffff;
	[tilespmem:s28+$0x80] =	vst v56  }
0x90: {  	[tilespmem:s28+$0x100] =	vst v57  }
0x91: {  	[tilespmem:s28+$0x180] =	vst v58  }
0x92: {  	[tilespmem:s28+$0x200] =	vst v59  }
0x93: {  	[tilespmem:s28+$0x280] =	vst v60  }
0x94: {  	[tilespmem:s28+$0x300] =	vst v61  }
0x95: {  	[tilespmem:s28+$0x380] =	vst v62  }
0x96: {  	[tilespmem:s26+$0x0] =	vst v0  }
0x97: {  	[tilespmem:s25+$0x0] =	vst v2  }
0x98: {  	s0 =	simm.s32 $0x3000;
	[tilespmem:s28+$0x0] =	vst v63  }
0x99: {  	[hbm4b:s5+s2] =	stream.linear.scatter [tilespmem:s0], [sflag:$0x1], $0x2000, $0x38;
	[tilespmem:$0xB000] =	vst v63  }
0x9a: {  	s31 =	simm.s32 $0x5000  }
0x9b: {  	[hbm4b:s6+s2] =	stream.linear.scatter [tilespmem:s31], [sflag:$0x1], $0x2000, $0x38;
	[tilespmem:$0xB000] =	vst v63  }
0x9c: {  	_ = 	snop  }
0x9d: {  	[hbm4b:s7+s2] =	stream.linear.scatter [tilespmem:s14], [sflag:$0x1], $0x2000, $0x38;
	[tilespmem:$0xB000] =	vst v63  }
0x9e: {  	_ = 	snop  }
0x9f: {  	[hbm4b:s8+s2] =	stream.linear.scatter [tilespmem:s15], [sflag:$0x1], $0x2000, $0x38;
	[tilespmem:$0xB000] =	vst v63  }
0xa0: {  	_ =	swait.ge [sflag:s16], $0x2000  }
0xa1: {  	[sflag:s16] =	ssyncset.done $0x0  }
0xa2: {  	[sflag:s16] =	ssyncadd.s32 $0xFFFFE000  }
0xa3: {  	_ =	swait.ge [sflag:s16], $0x2000  }
0xa4: {  	[sflag:s16] =	ssyncset.done $0x0  }
0xa5: {  	s17 =	sadd.s32 $0x1, s17;
	[sflag:s16] =	ssyncadd.s32 $0xFFFFE000  }
0xa6: {  	p0 =	sne.s32 s17, s9;
	_ =	swait.ge [sflag:s16], $0x2000  }
.Ltmp1:
0xa7: {  	[sflag:s16] =	ssyncset.done $0x0;
	(pc) =	sbr.rel @p0 .LBB2_1-.Ltmp1, $4  }
0xa8: {  	[sflag:s16] =	ssyncadd.s32 $0xFFFFE000  }
0xa9: {  	_ =	swait.ge [sflag:s16], $0x2000  }
0xaa: {  	[sflag:s16] =	ssyncset.done $0x0  }
0xab: {  	[sflag:s16] =	ssyncadd.s32 $0xFFFFE000  }
0xac: {  	_ =	sfence.sel $0x180000  }
0xad: {  	[bflag:$0x0] =	sbarrier.arrive $0xFFFF  }
0xae: {  	_ =	strace $0x90000047  }
0xaf: {  	s0 =	stileid.u32;
	[bflag:$0x2] =	sbarrier.arrive $0xFFFF  }
0xb0: {  	p0 =	sne.s32 s0, $0x0;
	s0 =	rddreg [dreg:$0x3]  }
0xb1: {  	s0 =	sadd.s32 @!p0 $0x100000, s0  }
0xb2: {  	[sflag:s0] =	ssyncadd.tile.s32 @!p0 $0x1;
	_ =	shalt  }
.Lfunc_end2:
_tile_overlayer_lowered:
.L_overlay_start_2:
0xb3: {  	(tag) =	ssettag $0x2  }
0xb4: {  	s0 =	rddreg [dreg:$0x0];
	s2 =	stileid.u32  }
0xb5: {  	s1 =	rddreg [dreg:$0x1];
	p0 =	sne.s32 s2, $0x0  }
0xb6: {  	s3 =	rddreg [dreg:$0x2];
	[bflag:$0x3] =	sbarrier.arrive $0xFFFF;
	s2 =	simm.s32 @!p0 $0x1C02  }
0xb7: {  	[timem:s3], [sflag:s2] =	dma.local @!p0 [hbm:s0], s1  }
0xb8: {  	s0 =	simm.s32 @!p0 $0x2  }
0xb9: {  	_ =	swait.ge @!p0 [sflag:s0], s1  }
0xba: {  	s1 =	ssub.s32 @!p0 $0x0, s1;
	[sflag:s0] =	ssyncset.done @!p0 $0x0  }
0xbb: {  	[sflag:s0] =	ssyncadd.s32 @!p0 s1  }
0xbc: {  	[bflag:$0x3] =	sbarrier.arrive $0xFFFF  }
0xbd: {  	_ =	shalt  }

</sc_bundles>
